<compile_context>
chip_gen: v7x
topology: tpu7x:2x2x1
jax: 0.10.2.dev20260603
libtpu: 0.0.44.dev20260713+nightly
codegen_flags: <defaults>
</compile_context>

<pallas_src>
import jax
import jax.numpy as jnp
from jax import lax
from jax.experimental import pallas as pl
from jax.experimental.pallas import tpu as pltpu
from jax.experimental.pallas import tpu_sc as plsc

_NC = 2
_NS = 16
_L = 16
_HB = 8
_BB = 128


def kernel(token_ids, table):
    B, H = token_ids.shape
    V, D = table.shape
    idx_t = token_ids.T
    stride = D + 1
    tab_flat = jnp.pad(table, ((0, 0), (0, 1))).reshape(-1)

    nw = _NC * _NS
    bblocks_per_w = B // _BB // nw
    hblocks = H // _HB
    nblocks = bblocks_per_w * hblocks

    mesh = plsc.VectorSubcoreMesh(core_axis_name="core", subcore_axis_name="subcore")

    @pl.kernel(
        out_type=jax.ShapeDtypeStruct((H, D, B), jnp.float32),
        mesh=mesh,
        scratch_types=[
            pltpu.VMEM((V * stride,), jnp.float32),
            pltpu.VMEM((2, _HB, _BB), jnp.int32),
            pltpu.VMEM((2, _HB, D, _BB), jnp.float32),
            pltpu.SemaphoreType.DMA,
            pltpu.SemaphoreType.DMA,
            pltpu.SemaphoreType.DMA,
        ],
        compiler_params=pltpu.CompilerParams(
            use_tc_tiling_on_sc=True, needs_layout_passes=False
        ),
    )
    def emb_kernel(tab_hbm, idx_hbm, out_hbm, tab_v, idx_v, o_v, sem_t, sem_i, sem_o):
        wid = lax.axis_index("subcore") * _NC + lax.axis_index("core")
        b0 = wid * (bblocks_per_w * _BB)
        pltpu.async_copy(tab_hbm, tab_v, sem_t).wait()

        def blk_slices(blk):
            hb = lax.rem(blk, hblocks)
            bb = blk // hblocks
            return pl.ds(hb * _HB, _HB), pl.ds(b0 + bb * _BB, _BB)

        def idx_dma(blk, buf):
            hs, bs = blk_slices(blk)
            return pltpu.make_async_copy(idx_hbm.at[hs, bs], idx_v.at[buf], sem_i)

        def out_dma(blk, buf):
            hs, bs = blk_slices(blk)
            return pltpu.make_async_copy(
                o_v.at[buf], out_hbm.at[hs, :, bs], sem_o
            )

        idx_dma(0, 0).start()

        @pl.loop(0, nblocks)
        def _(blk):
            buf = lax.rem(blk, 2)
            nxt = 1 - buf

            @pl.when(blk + 1 < nblocks)
            def _():
                idx_dma(blk + 1, nxt).start()

            idx_dma(blk, buf).wait()

            @pl.when(blk >= 2)
            def _():
                out_dma(blk - 2, buf).wait()

            @plsc.parallel_loop(0, _HB * (_BB // _L))
            def _(q):
                h = q // (_BB // _L)
                bq = lax.rem(q, _BB // _L)
                tv = idx_v[buf, h, pl.ds(bq * _L, _L)] * stride
                vals = [plsc.load_gather(tab_v, [tv + c]) for c in range(D)]
                for c in range(D):
                    o_v[buf, h, c, pl.ds(bq * _L, _L)] = vals[c]

            out_dma(blk, buf).start()

        out_dma(nblocks - 2, 0).wait()
        out_dma(nblocks - 1, 1).wait()

    out = emb_kernel(tab_flat, idx_t)
    return jnp.transpose(out, (2, 0, 1))

# --- scband reference (transcript-rebuilt; emitter-appended) ---
"""Pipeline reference for scband-symbolic-embedding-34952443854923 (READ-ONLY COPY).

The authoritative reference and input builder live on the scoring server;
editing this copy changes nothing except your own understanding.
"""

import jax, jax.numpy as jnp
import numpy as np

VOCAB = 1000
EMBED_DIM = 32
BATCH = 16384
HIST = 200

def setup_inputs(seed: int = 0) -> dict:
    key = jax.random.key(seed)
    k1, k2 = jax.random.split(key)
    token_ids = jax.random.randint(k1, (BATCH, HIST), 0, VOCAB, dtype=jnp.int64 if jax.config.jax_enable_x64 else jnp.int32)
    table = jax.random.normal(k2, (VOCAB, EMBED_DIM), dtype=jnp.float32)
    return {"token_ids": token_ids, "table": table}

def reference(token_ids, table):
    # nn.Embedding forward: row gather from the embedding table
    return jnp.take(table, token_ids, axis=0)

if __name__ == "__main__":
    import jax
    _d = setup_inputs()
    print(jax.jit(kernel)(*tuple(_d.values())))

</pallas_src>

<mosaic_0001>
#map = affine_map<(d0, d1) -> (0)>
#map1 = affine_map<(d0, d1) -> (0, 0)>
#map2 = affine_map<(d0, d1) -> (0, 0, 0)>
module attributes {stable_mosaic.version = 14 : i64} {
  func.func @emb_kernel(%arg0: i32, %arg1: i32, %arg2: memref<33000xf32, #tpu.memory_space<hbm>>, %arg3: memref<200x16384xi32, #tpu.memory_space<hbm>>, %arg4: memref<200x32x16384xf32, #tpu.memory_space<hbm>>, %arg5: memref<33000xf32, #tpu.memory_space<vmem>>, %arg6: memref<2x8x128xi32, #tpu.memory_space<vmem>>, %arg7: memref<2x8x32x128xf32, #tpu.memory_space<vmem>>, %arg8: memref<!tpu.dma_semaphore, #tpu.memory_space<semaphore_mem>>, %arg9: memref<!tpu.dma_semaphore, #tpu.memory_space<semaphore_mem>>, %arg10: memref<!tpu.dma_semaphore, #tpu.memory_space<semaphore_mem>>) attributes {dimension_semantics = [#tpu.dimension_semantics<core_parallel>, #tpu.dimension_semantics<subcore_parallel>], iteration_bounds = array<i64: 2, 16>, scalar_prefetch = 0 : i64, scratch_operands = 6 : i64, tpu.core_type = #tpu.core_type<sc_vector_subcore>, window_params = [{transform_indices = #map}, {transform_indices = #map1}, {transform_indices = #map2}]} {
    %mul3A = arith.constant 2 : i32
    %mul3A_0 = arith.muli %arg1, %mul3A : i32
    %add3A = arith.addi %mul3A_0, %arg0 : i32
    %mul3A_1 = arith.constant 512 : i32
    %mul3A_2 = arith.muli %add3A, %mul3A_1 : i32
    tpu.enqueue_dma source(%arg2 : memref<33000xf32, #tpu.memory_space<hbm>>) target(%arg5 : memref<33000xf32, #tpu.memory_space<vmem>>) target_semaphore(%arg8 : memref<!tpu.dma_semaphore, #tpu.memory_space<semaphore_mem>>)
    tpu.wait_dma2 semaphore(%arg8 : memref<!tpu.dma_semaphore, #tpu.memory_space<semaphore_mem>>) src(%arg2 : memref<33000xf32, #tpu.memory_space<hbm>>) dst(%arg5 : memref<33000xf32, #tpu.memory_space<vmem>>)
    %rem3A = arith.constant 0 : i32
    %rem3A_3 = arith.constant 25 : i32
    %rem3A_4 = arith.remsi %rem3A, %rem3A_3 : i32
    %mul3A_5 = arith.constant 8 : i32
    %mul3A_6 = arith.muli %rem3A_4, %mul3A_5 : i32
    %add3A_7 = arith.constant 0 : i32
    %add3A_8 = arith.addi %mul3A_2, %add3A_7 : i32
    %dma_start3A = arith.constant 0 : i32
    %dma_start3A_9 = arith.constant 0 : i32
    %dma_start3A_10 = arith.constant 0 : i32
    %dma_start3A_11 = tpu.memref_slice %arg6[%dma_start3A, %dma_start3A_9, %dma_start3A_10] : memref<2x8x128xi32, #tpu.memory_space<vmem>> -> memref<1x8x128xi32, #tpu.memory_space<vmem>>
    %dma_start3A_12 = tpu.memref_squeeze %dma_start3A_11 : memref<1x8x128xi32, #tpu.memory_space<vmem>> -> memref<8x128xi32, #tpu.memory_space<vmem>>
    %dma_start3A_13 = tpu.memref_slice %arg3[%mul3A_6, %add3A_8] : memref<200x16384xi32, #tpu.memory_space<hbm>> -> memref<8x128xi32, #tpu.memory_space<hbm>>
    %dma_start3A_14 = arith.constant 0 : i32
    %dma_start3A_15 = arith.constant 0 : i32
    %dma_start3A_16 = tpu.memref_slice %arg6[%dma_start3A, %dma_start3A_14, %dma_start3A_15] : memref<2x8x128xi32, #tpu.memory_space<vmem>> -> memref<1x8x128xi32, #tpu.memory_space<vmem>>
    %dma_start3A_17 = tpu.memref_squeeze %dma_start3A_16 : memref<1x8x128xi32, #tpu.memory_space<vmem>> -> memref<8x128xi32, #tpu.memory_space<vmem>>
    %dma_start3A_18 = tpu.memref_slice %arg3[%mul3A_6, %add3A_8] : memref<200x16384xi32, #tpu.memory_space<hbm>> -> memref<8x128xi32, #tpu.memory_space<hbm>>
    tpu.enqueue_dma source(%dma_start3A_18 : memref<8x128xi32, #tpu.memory_space<hbm>>) target(%dma_start3A_17 : memref<8x128xi32, #tpu.memory_space<vmem>>) target_semaphore(%arg9 : memref<!tpu.dma_semaphore, #tpu.memory_space<semaphore_mem>>)
    %scan3A = arith.constant 0 : i32
    %scan3A_19 = arith.constant 100 : i32
    %scan3A_20 = arith.addi %scan3A, %scan3A_19 : i32
    %scan3A_21 = arith.constant 1 : i32
    scf.for %scan3A_66 = %scan3A to %scan3A_20 step %scan3A_21  : i32 {
      %mul3A_67 = arith.constant 1 : i32
      %mul3A_68 = arith.muli %scan3A_66, %mul3A_67 : i32
      %add3A_69 = arith.constant 0 : i32
      %add3A_70 = arith.addi %add3A_69, %mul3A_68 : i32
      %rem3A_71 = arith.constant 2 : i32
      %rem3A_72 = arith.remsi %add3A_70, %rem3A_71 : i32
      %sub3A = arith.constant 1 : i32
      %sub3A_73 = arith.subi %sub3A, %rem3A_72 : i32
      %add3A_74 = arith.constant 1 : i32
      %add3A_75 = arith.addi %add3A_70, %add3A_74 : i32
      %lt3A = arith.constant 100 : i32
      %lt3A_76 = arith.cmpi slt, %add3A_75, %lt3A : i32
      %convert_element_type3A = arith.extui %lt3A_76 : i1 to i32
      %cond3A = arith.constant 0 : i32
      %cond3A_77 = arith.cmpi ne, %convert_element_type3A, %cond3A : i32
      scf.if %cond3A_77 {
        %add3A_164 = arith.constant 1 : i32
        %add3A_165 = arith.addi %add3A_70, %add3A_164 : i32
        %rem3A_166 = arith.constant 25 : i32
        %rem3A_167 = arith.remsi %add3A_165, %rem3A_166 : i32
        %jit3A_168 = arith.constant 25 : i32
        %div3A_169 = arith.divsi %add3A_165, %jit3A_168 : i32
        %sign3A_170 = arith.constant 0 : i32
        %sign3A_171 = arith.cmpi sgt, %add3A_165, %sign3A_170 : i32
        %sign3A_172 = arith.extui %sign3A_171 : i1 to i32
        %sign3A_173 = arith.constant 0 : i32
        %sign3A_174 = arith.cmpi slt, %add3A_165, %sign3A_173 : i32
        %sign3A_175 = arith.extui %sign3A_174 : i1 to i32
        %sign3A_176 = arith.subi %sign3A_172, %sign3A_175 : i32
        %sign3A_177 = arith.constant 0 : i32
        %sign3A_178 = arith.cmpi sgt, %jit3A_168, %sign3A_177 : i32
        %sign3A_179 = arith.extui %sign3A_178 : i1 to i32
        %sign3A_180 = arith.constant 0 : i32
        %sign3A_181 = arith.cmpi slt, %jit3A_168, %sign3A_180 : i32
        %sign3A_182 = arith.extui %sign3A_181 : i1 to i32
        %sign3A_183 = arith.subi %sign3A_179, %sign3A_182 : i32
        %ne3A_184 = arith.cmpi ne, %sign3A_176, %sign3A_183 : i32
        %rem3A_185 = arith.remsi %add3A_165, %jit3A_168 : i32
        %ne3A_186 = arith.constant 0 : i32
        %ne3A_187 = arith.cmpi ne, %rem3A_185, %ne3A_186 : i32
        %and3A_188 = arith.andi %ne3A_184, %ne3A_187 : i1
        %sub3A_189 = arith.constant 1 : i32
        %sub3A_190 = arith.subi %div3A_169, %sub3A_189 : i32
        %select_n3A_191 = arith.select %and3A_188, %sub3A_190, %div3A_169 : i32
        %mul3A_192 = arith.constant 8 : i32
        %mul3A_193 = arith.muli %rem3A_167, %mul3A_192 : i32
        %mul3A_194 = arith.constant 128 : i32
        %mul3A_195 = arith.muli %select_n3A_191, %mul3A_194 : i32
        %add3A_196 = arith.addi %mul3A_2, %mul3A_195 : i32
        %dma_start3A_197 = arith.constant 0 : i32
        %dma_start3A_198 = arith.constant 0 : i32
        %dma_start3A_199 = tpu.memref_slice %arg6[%sub3A_73, %dma_start3A_197, %dma_start3A_198] : memref<2x8x128xi32, #tpu.memory_space<vmem>> -> memref<1x8x128xi32, #tpu.memory_space<vmem>>
        %dma_start3A_200 = tpu.memref_squeeze %dma_start3A_199 : memref<1x8x128xi32, #tpu.memory_space<vmem>> -> memref<8x128xi32, #tpu.memory_space<vmem>>
        %dma_start3A_201 = tpu.memref_slice %arg3[%mul3A_193, %add3A_196] : memref<200x16384xi32, #tpu.memory_space<hbm>> -> memref<8x128xi32, #tpu.memory_space<hbm>>
        %dma_start3A_202 = arith.constant 0 : i32
        %dma_start3A_203 = arith.constant 0 : i32
        %dma_start3A_204 = tpu.memref_slice %arg6[%sub3A_73, %dma_start3A_202, %dma_start3A_203] : memref<2x8x128xi32, #tpu.memory_space<vmem>> -> memref<1x8x128xi32, #tpu.memory_space<vmem>>
        %dma_start3A_205 = tpu.memref_squeeze %dma_start3A_204 : memref<1x8x128xi32, #tpu.memory_space<vmem>> -> memref<8x128xi32, #tpu.memory_space<vmem>>
        %dma_start3A_206 = tpu.memref_slice %arg3[%mul3A_193, %add3A_196] : memref<200x16384xi32, #tpu.memory_space<hbm>> -> memref<8x128xi32, #tpu.memory_space<hbm>>
        tpu.enqueue_dma source(%dma_start3A_206 : memref<8x128xi32, #tpu.memory_space<hbm>>) target(%dma_start3A_205 : memref<8x128xi32, #tpu.memory_space<vmem>>) target_semaphore(%arg9 : memref<!tpu.dma_semaphore, #tpu.memory_space<semaphore_mem>>)
      } else {
      }
      %rem3A_78 = arith.constant 25 : i32
      %rem3A_79 = arith.remsi %add3A_70, %rem3A_78 : i32
      %jit3A = arith.constant 25 : i32
      %div3A = arith.divsi %add3A_70, %jit3A : i32
      %sign3A = arith.constant 0 : i32
      %sign3A_80 = arith.cmpi sgt, %add3A_70, %sign3A : i32
      %sign3A_81 = arith.extui %sign3A_80 : i1 to i32
      %sign3A_82 = arith.constant 0 : i32
      %sign3A_83 = arith.cmpi slt, %add3A_70, %sign3A_82 : i32
      %sign3A_84 = arith.extui %sign3A_83 : i1 to i32
      %sign3A_85 = arith.subi %sign3A_81, %sign3A_84 : i32
      %sign3A_86 = arith.constant 0 : i32
      %sign3A_87 = arith.cmpi sgt, %jit3A, %sign3A_86 : i32
      %sign3A_88 = arith.extui %sign3A_87 : i1 to i32
      %sign3A_89 = arith.constant 0 : i32
      %sign3A_90 = arith.cmpi slt, %jit3A, %sign3A_89 : i32
      %sign3A_91 = arith.extui %sign3A_90 : i1 to i32
      %sign3A_92 = arith.subi %sign3A_88, %sign3A_91 : i32
      %ne3A = arith.cmpi ne, %sign3A_85, %sign3A_92 : i32
      %rem3A_93 = arith.remsi %add3A_70, %jit3A : i32
      %ne3A_94 = arith.constant 0 : i32
      %ne3A_95 = arith.cmpi ne, %rem3A_93, %ne3A_94 : i32
      %and3A = arith.andi %ne3A, %ne3A_95 : i1
      %sub3A_96 = arith.constant 1 : i32
      %sub3A_97 = arith.subi %div3A, %sub3A_96 : i32
      %select_n3A = arith.select %and3A, %sub3A_97, %div3A : i32
      %mul3A_98 = arith.constant 8 : i32
      %mul3A_99 = arith.muli %rem3A_79, %mul3A_98 : i32
      %mul3A_100 = arith.constant 128 : i32
      %mul3A_101 = arith.muli %select_n3A, %mul3A_100 : i32
      %add3A_102 = arith.addi %mul3A_2, %mul3A_101 : i32
      %dma_wait3A_103 = arith.constant 0 : i32
      %dma_wait3A_104 = arith.constant 0 : i32
      %dma_wait3A_105 = tpu.memref_slice %arg6[%rem3A_72, %dma_wait3A_103, %dma_wait3A_104] : memref<2x8x128xi32, #tpu.memory_space<vmem>> -> memref<1x8x128xi32, #tpu.memory_space<vmem>>
      %dma_wait3A_106 = tpu.memref_squeeze %dma_wait3A_105 : memref<1x8x128xi32, #tpu.memory_space<vmem>> -> memref<8x128xi32, #tpu.memory_space<vmem>>
      %dma_wait3A_107 = tpu.memref_slice %arg3[%mul3A_99, %add3A_102] : memref<200x16384xi32, #tpu.memory_space<hbm>> -> memref<8x128xi32, #tpu.memory_space<hbm>>
      %dma_wait3A_108 = arith.constant 0 : i32
      %dma_wait3A_109 = arith.constant 0 : i32
      %dma_wait3A_110 = tpu.memref_slice %arg6[%rem3A_72, %dma_wait3A_108, %dma_wait3A_109] : memref<2x8x128xi32, #tpu.memory_space<vmem>> -> memref<1x8x128xi32, #tpu.memory_space<vmem>>
      %dma_wait3A_111 = tpu.memref_squeeze %dma_wait3A_110 : memref<1x8x128xi32, #tpu.memory_space<vmem>> -> memref<8x128xi32, #tpu.memory_space<vmem>>
      %dma_wait3A_112 = tpu.memref_slice %arg3[%mul3A_99, %add3A_102] : memref<200x16384xi32, #tpu.memory_space<hbm>> -> memref<8x128xi32, #tpu.memory_space<hbm>>
      tpu.wait_dma2 semaphore(%arg9 : memref<!tpu.dma_semaphore, #tpu.memory_space<semaphore_mem>>) src(%dma_wait3A_112 : memref<8x128xi32, #tpu.memory_space<hbm>>) dst(%dma_wait3A_111 : memref<8x128xi32, #tpu.memory_space<vmem>>)
      %ge3A = arith.constant 2 : i32
      %ge3A_113 = arith.cmpi sge, %add3A_70, %ge3A : i32
      %convert_element_type3A_114 = arith.extui %ge3A_113 : i1 to i32
      %cond3A_115 = arith.constant 0 : i32
      %cond3A_116 = arith.cmpi ne, %convert_element_type3A_114, %cond3A_115 : i32
      scf.if %cond3A_116 {
        %sub3A_164 = arith.constant 2 : i32
        %sub3A_165 = arith.subi %add3A_70, %sub3A_164 : i32
        %rem3A_166 = arith.constant 25 : i32
        %rem3A_167 = arith.remsi %sub3A_165, %rem3A_166 : i32
        %jit3A_168 = arith.constant 25 : i32
        %div3A_169 = arith.divsi %sub3A_165, %jit3A_168 : i32
        %sign3A_170 = arith.constant 0 : i32
        %sign3A_171 = arith.cmpi sgt, %sub3A_165, %sign3A_170 : i32
        %sign3A_172 = arith.extui %sign3A_171 : i1 to i32
        %sign3A_173 = arith.constant 0 : i32
        %sign3A_174 = arith.cmpi slt, %sub3A_165, %sign3A_173 : i32
        %sign3A_175 = arith.extui %sign3A_174 : i1 to i32
        %sign3A_176 = arith.subi %sign3A_172, %sign3A_175 : i32
        %sign3A_177 = arith.constant 0 : i32
        %sign3A_178 = arith.cmpi sgt, %jit3A_168, %sign3A_177 : i32
        %sign3A_179 = arith.extui %sign3A_178 : i1 to i32
        %sign3A_180 = arith.constant 0 : i32
        %sign3A_181 = arith.cmpi slt, %jit3A_168, %sign3A_180 : i32
        %sign3A_182 = arith.extui %sign3A_181 : i1 to i32
        %sign3A_183 = arith.subi %sign3A_179, %sign3A_182 : i32
        %ne3A_184 = arith.cmpi ne, %sign3A_176, %sign3A_183 : i32
        %rem3A_185 = arith.remsi %sub3A_165, %jit3A_168 : i32
        %ne3A_186 = arith.constant 0 : i32
        %ne3A_187 = arith.cmpi ne, %rem3A_185, %ne3A_186 : i32
        %and3A_188 = arith.andi %ne3A_184, %ne3A_187 : i1
        %sub3A_189 = arith.constant 1 : i32
        %sub3A_190 = arith.subi %div3A_169, %sub3A_189 : i32
        %select_n3A_191 = arith.select %and3A_188, %sub3A_190, %div3A_169 : i32
        %mul3A_192 = arith.constant 8 : i32
        %mul3A_193 = arith.muli %rem3A_167, %mul3A_192 : i32
        %mul3A_194 = arith.constant 128 : i32
        %mul3A_195 = arith.muli %select_n3A_191, %mul3A_194 : i32
        %add3A_196 = arith.addi %mul3A_2, %mul3A_195 : i32
        %dma_wait3A_197 = arith.constant 0 : i32
        %dma_wait3A_198 = arith.constant 0 : i32
        %dma_wait3A_199 = arith.constant 0 : i32
        %dma_wait3A_200 = tpu.memref_slice %arg7[%rem3A_72, %dma_wait3A_197, %dma_wait3A_198, %dma_wait3A_199] : memref<2x8x32x128xf32, #tpu.memory_space<vmem>> -> memref<1x8x32x128xf32, #tpu.memory_space<vmem>>
        %dma_wait3A_201 = tpu.memref_squeeze %dma_wait3A_200 : memref<1x8x32x128xf32, #tpu.memory_space<vmem>> -> memref<8x32x128xf32, #tpu.memory_space<vmem>>
        %dma_wait3A_202 = arith.constant 0 : i32
        %dma_wait3A_203 = tpu.memref_slice %arg4[%mul3A_193, %dma_wait3A_202, %add3A_196] : memref<200x32x16384xf32, #tpu.memory_space<hbm>> -> memref<8x32x128xf32, #tpu.memory_space<hbm>>
        %dma_wait3A_204 = arith.constant 0 : i32
        %dma_wait3A_205 = tpu.memref_slice %arg4[%mul3A_193, %dma_wait3A_204, %add3A_196] : memref<200x32x16384xf32, #tpu.memory_space<hbm>> -> memref<8x32x128xf32, #tpu.memory_space<hbm>>
        %dma_wait3A_206 = arith.constant 0 : i32
        %dma_wait3A_207 = arith.constant 0 : i32
        %dma_wait3A_208 = arith.constant 0 : i32
        %dma_wait3A_209 = tpu.memref_slice %arg7[%rem3A_72, %dma_wait3A_206, %dma_wait3A_207, %dma_wait3A_208] : memref<2x8x32x128xf32, #tpu.memory_space<vmem>> -> memref<1x8x32x128xf32, #tpu.memory_space<vmem>>
        %dma_wait3A_210 = tpu.memref_squeeze %dma_wait3A_209 : memref<1x8x32x128xf32, #tpu.memory_space<vmem>> -> memref<8x32x128xf32, #tpu.memory_space<vmem>>
        tpu.wait_dma2 semaphore(%arg10 : memref<!tpu.dma_semaphore, #tpu.memory_space<semaphore_mem>>) src(%dma_wait3A_210 : memref<8x32x128xf32, #tpu.memory_space<vmem>>) dst(%dma_wait3A_205 : memref<8x32x128xf32, #tpu.memory_space<hbm>>)
      } else {
      }
      %parallel_loop3A = arith.constant 0 : i32
      %parallel_loop3A_117 = arith.constant 64 : i32
      %parallel_loop3A_118 = arith.constant 1 : i32
      scf.for %parallel_loop3A_164 = %parallel_loop3A to %parallel_loop3A_117 step %parallel_loop3A_118  : i32 {
        %parallel_loop3A_165 = arith.constant 8 : i32
        %parallel_loop3A_166 = arith.divsi %parallel_loop3A_164, %parallel_loop3A_165 : i32
        %parallel_loop3A_167 = arith.constant 0 : i32
        %parallel_loop3A_168 = arith.cmpi sgt, %parallel_loop3A_164, %parallel_loop3A_167 : i32
        %parallel_loop3A_169 = arith.extui %parallel_loop3A_168 : i1 to i32
        %parallel_loop3A_170 = arith.constant 0 : i32
        %parallel_loop3A_171 = arith.cmpi slt, %parallel_loop3A_164, %parallel_loop3A_170 : i32
        %parallel_loop3A_172 = arith.extui %parallel_loop3A_171 : i1 to i32
        %parallel_loop3A_173 = arith.subi %parallel_loop3A_169, %parallel_loop3A_172 : i32
        %parallel_loop3A_174 = arith.constant 0 : i32
        %parallel_loop3A_175 = arith.cmpi sgt, %parallel_loop3A_165, %parallel_loop3A_174 : i32
        %parallel_loop3A_176 = arith.extui %parallel_loop3A_175 : i1 to i32
        %parallel_loop3A_177 = arith.constant 0 : i32
        %parallel_loop3A_178 = arith.cmpi slt, %parallel_loop3A_165, %parallel_loop3A_177 : i32
        %parallel_loop3A_179 = arith.extui %parallel_loop3A_178 : i1 to i32
        %parallel_loop3A_180 = arith.subi %parallel_loop3A_176, %parallel_loop3A_179 : i32
        %parallel_loop3A_181 = arith.cmpi ne, %parallel_loop3A_173, %parallel_loop3A_180 : i32
        %parallel_loop3A_182 = arith.remsi %parallel_loop3A_164, %parallel_loop3A_165 : i32
        %parallel_loop3A_183 = arith.constant 0 : i32
        %parallel_loop3A_184 = arith.cmpi ne, %parallel_loop3A_182, %parallel_loop3A_183 : i32
        %parallel_loop3A_185 = arith.andi %parallel_loop3A_181, %parallel_loop3A_184 : i1
        %parallel_loop3A_186 = arith.constant 1 : i32
        %parallel_loop3A_187 = arith.subi %parallel_loop3A_166, %parallel_loop3A_186 : i32
        %parallel_loop3A_188 = arith.select %parallel_loop3A_185, %parallel_loop3A_187, %parallel_loop3A_166 : i32
        %parallel_loop3A_189 = arith.constant 8 : i32
        %parallel_loop3A_190 = arith.remsi %parallel_loop3A_164, %parallel_loop3A_189 : i32
        %parallel_loop3A_191 = arith.constant 16 : i32
        %parallel_loop3A_192 = arith.muli %parallel_loop3A_190, %parallel_loop3A_191 : i32
        %parallel_loop3A_193 = arith.index_cast %rem3A_72 : i32 to index
        %parallel_loop3A_194 = arith.index_cast %parallel_loop3A_188 : i32 to index
        %parallel_loop3A_195 = arith.index_cast %parallel_loop3A_192 : i32 to index
        %parallel_loop3A_196 = tpu.vector_load %arg6[%parallel_loop3A_193, %parallel_loop3A_194, %parallel_loop3A_195] {strides = array<i32>} : memref<2x8x128xi32, #tpu.memory_space<vmem>>, vector<16xi32>,
        %parallel_loop3A_197 = arith.constant 33 : i32
        %parallel_loop3A_198 = vector.broadcast %parallel_loop3A_197 : i32 to vector<16xi32>
        %parallel_loop3A_199 = arith.muli %parallel_loop3A_196, %parallel_loop3A_198 : vector<16xi32>
        %parallel_loop3A_200 = arith.constant 0 : i32
        %parallel_loop3A_201 = vector.broadcast %parallel_loop3A_200 : i32 to vector<16xi32>
        %parallel_loop3A_202 = arith.addi %parallel_loop3A_199, %parallel_loop3A_201 : vector<16xi32>
        %parallel_loop3A_203 = tpu.vector_load_idx %arg5[%parallel_loop3A_202] : memref<33000xf32, #tpu.memory_space<vmem>>[vector<16xi32>], vector<16xf32>,
        %parallel_loop3A_204 = arith.constant 1 : i32
        %parallel_loop3A_205 = vector.broadcast %parallel_loop3A_204 : i32 to vector<16xi32>
        %parallel_loop3A_206 = arith.addi %parallel_loop3A_199, %parallel_loop3A_205 : vector<16xi32>
        %parallel_loop3A_207 = tpu.vector_load_idx %arg5[%parallel_loop3A_206] : memref<33000xf32, #tpu.memory_space<vmem>>[vector<16xi32>], vector<16xf32>,
        %parallel_loop3A_208 = arith.constant 2 : i32
        %parallel_loop3A_209 = vector.broadcast %parallel_loop3A_208 : i32 to vector<16xi32>
        %parallel_loop3A_210 = arith.addi %parallel_loop3A_199, %parallel_loop3A_209 : vector<16xi32>
        %parallel_loop3A_211 = tpu.vector_load_idx %arg5[%parallel_loop3A_210] : memref<33000xf32, #tpu.memory_space<vmem>>[vector<16xi32>], vector<16xf32>,
        %parallel_loop3A_212 = arith.constant 3 : i32
        %parallel_loop3A_213 = vector.broadcast %parallel_loop3A_212 : i32 to vector<16xi32>
        %parallel_loop3A_214 = arith.addi %parallel_loop3A_199, %parallel_loop3A_213 : vector<16xi32>
        %parallel_loop3A_215 = tpu.vector_load_idx %arg5[%parallel_loop3A_214] : memref<33000xf32, #tpu.memory_space<vmem>>[vector<16xi32>], vector<16xf32>,
        %parallel_loop3A_216 = arith.constant 4 : i32
        %parallel_loop3A_217 = vector.broadcast %parallel_loop3A_216 : i32 to vector<16xi32>
        %parallel_loop3A_218 = arith.addi %parallel_loop3A_199, %parallel_loop3A_217 : vector<16xi32>
        %parallel_loop3A_219 = tpu.vector_load_idx %arg5[%parallel_loop3A_218] : memref<33000xf32, #tpu.memory_space<vmem>>[vector<16xi32>], vector<16xf32>,
        %parallel_loop3A_220 = arith.constant 5 : i32
        %parallel_loop3A_221 = vector.broadcast %parallel_loop3A_220 : i32 to vector<16xi32>
        %parallel_loop3A_222 = arith.addi %parallel_loop3A_199, %parallel_loop3A_221 : vector<16xi32>
        %parallel_loop3A_223 = tpu.vector_load_idx %arg5[%parallel_loop3A_222] : memref<33000xf32, #tpu.memory_space<vmem>>[vector<16xi32>], vector<16xf32>,
        %parallel_loop3A_224 = arith.constant 6 : i32
        %parallel_loop3A_225 = vector.broadcast %parallel_loop3A_224 : i32 to vector<16xi32>
        %parallel_loop3A_226 = arith.addi %parallel_loop3A_199, %parallel_loop3A_225 : vector<16xi32>
        %parallel_loop3A_227 = tpu.vector_load_idx %arg5[%parallel_loop3A_226] : memref<33000xf32, #tpu.memory_space<vmem>>[vector<16xi32>], vector<16xf32>,
        %parallel_loop3A_228 = arith.constant 7 : i32
        %parallel_loop3A_229 = vector.broadcast %parallel_loop3A_228 : i32 to vector<16xi32>
        %parallel_loop3A_230 = arith.addi %parallel_loop3A_199, %parallel_loop3A_229 : vector<16xi32>
        %parallel_loop3A_231 = tpu.vector_load_idx %arg5[%parallel_loop3A_230] : memref<33000xf32, #tpu.memory_space<vmem>>[vector<16xi32>], vector<16xf32>,
        %parallel_loop3A_232 = arith.constant 8 : i32
        %parallel_loop3A_233 = vector.broadcast %parallel_loop3A_232 : i32 to vector<16xi32>
        %parallel_loop3A_234 = arith.addi %parallel_loop3A_199, %parallel_loop3A_233 : vector<16xi32>
        %parallel_loop3A_235 = tpu.vector_load_idx %arg5[%parallel_loop3A_234] : memref<33000xf32, #tpu.memory_space<vmem>>[vector<16xi32>], vector<16xf32>,
        %parallel_loop3A_236 = arith.constant 9 : i32
        %parallel_loop3A_237 = vector.broadcast %parallel_loop3A_236 : i32 to vector<16xi32>
        %parallel_loop3A_238 = arith.addi %parallel_loop3A_199, %parallel_loop3A_237 : vector<16xi32>
        %parallel_loop3A_239 = tpu.vector_load_idx %arg5[%parallel_loop3A_238] : memref<33000xf32, #tpu.memory_space<vmem>>[vector<16xi32>], vector<16xf32>,
        %parallel_loop3A_240 = arith.constant 10 : i32
        %parallel_loop3A_241 = vector.broadcast %parallel_loop3A_240 : i32 to vector<16xi32>
        %parallel_loop3A_242 = arith.addi %parallel_loop3A_199, %parallel_loop3A_241 : vector<16xi32>
        %parallel_loop3A_243 = tpu.vector_load_idx %arg5[%parallel_loop3A_242] : memref<33000xf32, #tpu.memory_space<vmem>>[vector<16xi32>], vector<16xf32>,
        %parallel_loop3A_244 = arith.constant 11 : i32
        %parallel_loop3A_245 = vector.broadcast %parallel_loop3A_244 : i32 to vector<16xi32>
        %parallel_loop3A_246 = arith.addi %parallel_loop3A_199, %parallel_loop3A_245 : vector<16xi32>
        %parallel_loop3A_247 = tpu.vector_load_idx %arg5[%parallel_loop3A_246] : memref<33000xf32, #tpu.memory_space<vmem>>[vector<16xi32>], vector<16xf32>,
        %parallel_loop3A_248 = arith.constant 12 : i32
        %parallel_loop3A_249 = vector.broadcast %parallel_loop3A_248 : i32 to vector<16xi32>
        %parallel_loop3A_250 = arith.addi %parallel_loop3A_199, %parallel_loop3A_249 : vector<16xi32>
        %parallel_loop3A_251 = tpu.vector_load_idx %arg5[%parallel_loop3A_250] : memref<33000xf32, #tpu.memory_space<vmem>>[vector<16xi32>], vector<16xf32>,
        %parallel_loop3A_252 = arith.constant 13 : i32
        %parallel_loop3A_253 = vector.broadcast %parallel_loop3A_252 : i32 to vector<16xi32>
        %parallel_loop3A_254 = arith.addi %parallel_loop3A_199, %parallel_loop3A_253 : vector<16xi32>
        %parallel_loop3A_255 = tpu.vector_load_idx %arg5[%parallel_loop3A_254] : memref<33000xf32, #tpu.memory_space<vmem>>[vector<16xi32>], vector<16xf32>,
        %parallel_loop3A_256 = arith.constant 14 : i32
        %parallel_loop3A_257 = vector.broadcast %parallel_loop3A_256 : i32 to vector<16xi32>
        %parallel_loop3A_258 = arith.addi %parallel_loop3A_199, %parallel_loop3A_257 : vector<16xi32>
        %parallel_loop3A_259 = tpu.vector_load_idx %arg5[%parallel_loop3A_258] : memref<33000xf32, #tpu.memory_space<vmem>>[vector<16xi32>], vector<16xf32>,
        %parallel_loop3A_260 = arith.constant 15 : i32
        %parallel_loop3A_261 = vector.broadcast %parallel_loop3A_260 : i32 to vector<16xi32>
        %parallel_loop3A_262 = arith.addi %parallel_loop3A_199, %parallel_loop3A_261 : vector<16xi32>
        %parallel_loop3A_263 = tpu.vector_load_idx %arg5[%parallel_loop3A_262] : memref<33000xf32, #tpu.memory_space<vmem>>[vector<16xi32>], vector<16xf32>,
        %parallel_loop3A_264 = arith.constant 16 : i32
        %parallel_loop3A_265 = vector.broadcast %parallel_loop3A_264 : i32 to vector<16xi32>
        %parallel_loop3A_266 = arith.addi %parallel_loop3A_199, %parallel_loop3A_265 : vector<16xi32>
        %parallel_loop3A_267 = tpu.vector_load_idx %arg5[%parallel_loop3A_266] : memref<33000xf32, #tpu.memory_space<vmem>>[vector<16xi32>], vector<16xf32>,
        %parallel_loop3A_268 = arith.constant 17 : i32
        %parallel_loop3A_269 = vector.broadcast %parallel_loop3A_268 : i32 to vector<16xi32>
        %parallel_loop3A_270 = arith.addi %parallel_loop3A_199, %parallel_loop3A_269 : vector<16xi32>
        %parallel_loop3A_271 = tpu.vector_load_idx %arg5[%parallel_loop3A_270] : memref<33000xf32, #tpu.memory_space<vmem>>[vector<16xi32>], vector<16xf32>,
        %parallel_loop3A_272 = arith.constant 18 : i32
        %parallel_loop3A_273 = vector.broadcast %parallel_loop3A_272 : i32 to vector<16xi32>
        %parallel_loop3A_274 = arith.addi %parallel_loop3A_199, %parallel_loop3A_273 : vector<16xi32>
        %parallel_loop3A_275 = tpu.vector_load_idx %arg5[%parallel_loop3A_274] : memref<33000xf32, #tpu.memory_space<vmem>>[vector<16xi32>], vector<16xf32>,
        %parallel_loop3A_276 = arith.constant 19 : i32
        %parallel_loop3A_277 = vector.broadcast %parallel_loop3A_276 : i32 to vector<16xi32>
        %parallel_loop3A_278 = arith.addi %parallel_loop3A_199, %parallel_loop3A_277 : vector<16xi32>
        %parallel_loop3A_279 = tpu.vector_load_idx %arg5[%parallel_loop3A_278] : memref<33000xf32, #tpu.memory_space<vmem>>[vector<16xi32>], vector<16xf32>,
        %parallel_loop3A_280 = arith.constant 20 : i32
        %parallel_loop3A_281 = vector.broadcast %parallel_loop3A_280 : i32 to vector<16xi32>
        %parallel_loop3A_282 = arith.addi %parallel_loop3A_199, %parallel_loop3A_281 : vector<16xi32>
        %parallel_loop3A_283 = tpu.vector_load_idx %arg5[%parallel_loop3A_282] : memref<33000xf32, #tpu.memory_space<vmem>>[vector<16xi32>], vector<16xf32>,
        %parallel_loop3A_284 = arith.constant 21 : i32
        %parallel_loop3A_285 = vector.broadcast %parallel_loop3A_284 : i32 to vector<16xi32>
        %parallel_loop3A_286 = arith.addi %parallel_loop3A_199, %parallel_loop3A_285 : vector<16xi32>
        %parallel_loop3A_287 = tpu.vector_load_idx %arg5[%parallel_loop3A_286] : memref<33000xf32, #tpu.memory_space<vmem>>[vector<16xi32>], vector<16xf32>,
        %parallel_loop3A_288 = arith.constant 22 : i32
        %parallel_loop3A_289 = vector.broadcast %parallel_loop3A_288 : i32 to vector<16xi32>
        %parallel_loop3A_290 = arith.addi %parallel_loop3A_199, %parallel_loop3A_289 : vector<16xi32>
        %parallel_loop3A_291 = tpu.vector_load_idx %arg5[%parallel_loop3A_290] : memref<33000xf32, #tpu.memory_space<vmem>>[vector<16xi32>], vector<16xf32>,
        %parallel_loop3A_292 = arith.constant 23 : i32
        %parallel_loop3A_293 = vector.broadcast %parallel_loop3A_292 : i32 to vector<16xi32>
        %parallel_loop3A_294 = arith.addi %parallel_loop3A_199, %parallel_loop3A_293 : vector<16xi32>
        %parallel_loop3A_295 = tpu.vector_load_idx %arg5[%parallel_loop3A_294] : memref<33000xf32, #tpu.memory_space<vmem>>[vector<16xi32>], vector<16xf32>,
        %parallel_loop3A_296 = arith.constant 24 : i32
        %parallel_loop3A_297 = vector.broadcast %parallel_loop3A_296 : i32 to vector<16xi32>
        %parallel_loop3A_298 = arith.addi %parallel_loop3A_199, %parallel_loop3A_297 : vector<16xi32>
        %parallel_loop3A_299 = tpu.vector_load_idx %arg5[%parallel_loop3A_298] : memref<33000xf32, #tpu.memory_space<vmem>>[vector<16xi32>], vector<16xf32>,
        %parallel_loop3A_300 = arith.constant 25 : i32
        %parallel_loop3A_301 = vector.broadcast %parallel_loop3A_300 : i32 to vector<16xi32>
        %parallel_loop3A_302 = arith.addi %parallel_loop3A_199, %parallel_loop3A_301 : vector<16xi32>
        %parallel_loop3A_303 = tpu.vector_load_idx %arg5[%parallel_loop3A_302] : memref<33000xf32, #tpu.memory_space<vmem>>[vector<16xi32>], vector<16xf32>,
        %parallel_loop3A_304 = arith.constant 26 : i32
        %parallel_loop3A_305 = vector.broadcast %parallel_loop3A_304 : i32 to vector<16xi32>
        %parallel_loop3A_306 = arith.addi %parallel_loop3A_199, %parallel_loop3A_305 : vector<16xi32>
        %parallel_loop3A_307 = tpu.vector_load_idx %arg5[%parallel_loop3A_306] : memref<33000xf32, #tpu.memory_space<vmem>>[vector<16xi32>], vector<16xf32>,
        %parallel_loop3A_308 = arith.constant 27 : i32
        %parallel_loop3A_309 = vector.broadcast %parallel_loop3A_308 : i32 to vector<16xi32>
        %parallel_loop3A_310 = arith.addi %parallel_loop3A_199, %parallel_loop3A_309 : vector<16xi32>
        %parallel_loop3A_311 = tpu.vector_load_idx %arg5[%parallel_loop3A_310] : memref<33000xf32, #tpu.memory_space<vmem>>[vector<16xi32>], vector<16xf32>,
        %parallel_loop3A_312 = arith.constant 28 : i32
        %parallel_loop3A_313 = vector.broadcast %parallel_loop3A_312 : i32 to vector<16xi32>
        %parallel_loop3A_314 = arith.addi %parallel_loop3A_199, %parallel_loop3A_313 : vector<16xi32>
        %parallel_loop3A_315 = tpu.vector_load_idx %arg5[%parallel_loop3A_314] : memref<33000xf32, #tpu.memory_space<vmem>>[vector<16xi32>], vector<16xf32>,
        %parallel_loop3A_316 = arith.constant 29 : i32
        %parallel_loop3A_317 = vector.broadcast %parallel_loop3A_316 : i32 to vector<16xi32>
        %parallel_loop3A_318 = arith.addi %parallel_loop3A_199, %parallel_loop3A_317 : vector<16xi32>
        %parallel_loop3A_319 = tpu.vector_load_idx %arg5[%parallel_loop3A_318] : memref<33000xf32, #tpu.memory_space<vmem>>[vector<16xi32>], vector<16xf32>,
        %parallel_loop3A_320 = arith.constant 30 : i32
        %parallel_loop3A_321 = vector.broadcast %parallel_loop3A_320 : i32 to vector<16xi32>
        %parallel_loop3A_322 = arith.addi %parallel_loop3A_199, %parallel_loop3A_321 : vector<16xi32>
        %parallel_loop3A_323 = tpu.vector_load_idx %arg5[%parallel_loop3A_322] : memref<33000xf32, #tpu.memory_space<vmem>>[vector<16xi32>], vector<16xf32>,
        %parallel_loop3A_324 = arith.constant 31 : i32
        %parallel_loop3A_325 = vector.broadcast %parallel_loop3A_324 : i32 to vector<16xi32>
        %parallel_loop3A_326 = arith.addi %parallel_loop3A_199, %parallel_loop3A_325 : vector<16xi32>
        %parallel_loop3A_327 = tpu.vector_load_idx %arg5[%parallel_loop3A_326] : memref<33000xf32, #tpu.memory_space<vmem>>[vector<16xi32>], vector<16xf32>,
        %parallel_loop3A_328 = arith.constant 16 : i32
        %parallel_loop3A_329 = arith.muli %parallel_loop3A_190, %parallel_loop3A_328 : i32
        %parallel_loop3A_330 = arith.constant 0 : i32
        %parallel_loop3A_331 = arith.index_cast %rem3A_72 : i32 to index
        %parallel_loop3A_332 = arith.index_cast %parallel_loop3A_188 : i32 to index
        %parallel_loop3A_333 = arith.index_cast %parallel_loop3A_330 : i32 to index
        %parallel_loop3A_334 = arith.index_cast %parallel_loop3A_329 : i32 to index
        %parallel_loop3A_335 = tpu.vector_load %arg7[%parallel_loop3A_331, %parallel_loop3A_332, %parallel_loop3A_333, %parallel_loop3A_334] {strides = array<i32>} : memref<2x8x32x128xf32, #tpu.memory_space<vmem>>, vector<16xf32>,
        tpu.vector_store %arg7[%parallel_loop3A_331, %parallel_loop3A_332, %parallel_loop3A_333, %parallel_loop3A_334], %parallel_loop3A_203 {strides = array<i32>} : memref<2x8x32x128xf32, #tpu.memory_space<vmem>>, vector<16xf32>,
        %parallel_loop3A_336 = arith.constant 16 : i32
        %parallel_loop3A_337 = arith.muli %parallel_loop3A_190, %parallel_loop3A_336 : i32
        %parallel_loop3A_338 = arith.constant 1 : i32
        %parallel_loop3A_339 = arith.index_cast %rem3A_72 : i32 to index
        %parallel_loop3A_340 = arith.index_cast %parallel_loop3A_188 : i32 to index
        %parallel_loop3A_341 = arith.index_cast %parallel_loop3A_338 : i32 to index
        %parallel_loop3A_342 = arith.index_cast %parallel_loop3A_337 : i32 to index
        %parallel_loop3A_343 = tpu.vector_load %arg7[%parallel_loop3A_339, %parallel_loop3A_340, %parallel_loop3A_341, %parallel_loop3A_342] {strides = array<i32>} : memref<2x8x32x128xf32, #tpu.memory_space<vmem>>, vector<16xf32>,
        tpu.vector_store %arg7[%parallel_loop3A_339, %parallel_loop3A_340, %parallel_loop3A_341, %parallel_loop3A_342], %parallel_loop3A_207 {strides = array<i32>} : memref<2x8x32x128xf32, #tpu.memory_space<vmem>>, vector<16xf32>,
        %parallel_loop3A_344 = arith.constant 16 : i32
        %parallel_loop3A_345 = arith.muli %parallel_loop3A_190, %parallel_loop3A_344 : i32
        %parallel_loop3A_346 = arith.constant 2 : i32
        %parallel_loop3A_347 = arith.index_cast %rem3A_72 : i32 to index
        %parallel_loop3A_348 = arith.index_cast %parallel_loop3A_188 : i32 to index
        %parallel_loop3A_349 = arith.index_cast %parallel_loop3A_346 : i32 to index
        %parallel_loop3A_350 = arith.index_cast %parallel_loop3A_345 : i32 to index
        %parallel_loop3A_351 = tpu.vector_load %arg7[%parallel_loop3A_347, %parallel_loop3A_348, %parallel_loop3A_349, %parallel_loop3A_350] {strides = array<i32>} : memref<2x8x32x128xf32, #tpu.memory_space<vmem>>, vector<16xf32>,
        tpu.vector_store %arg7[%parallel_loop3A_347, %parallel_loop3A_348, %parallel_loop3A_349, %parallel_loop3A_350], %parallel_loop3A_211 {strides = array<i32>} : memref<2x8x32x128xf32, #tpu.memory_space<vmem>>, vector<16xf32>,
        %parallel_loop3A_352 = arith.constant 16 : i32
        %parallel_loop3A_353 = arith.muli %parallel_loop3A_190, %parallel_loop3A_352 : i32
        %parallel_loop3A_354 = arith.constant 3 : i32
        %parallel_loop3A_355 = arith.index_cast %rem3A_72 : i32 to index
        %parallel_loop3A_356 = arith.index_cast %parallel_loop3A_188 : i32 to index
        %parallel_loop3A_357 = arith.index_cast %parallel_loop3A_354 : i32 to index
        %parallel_loop3A_358 = arith.index_cast %parallel_loop3A_353 : i32 to index
        %parallel_loop3A_359 = tpu.vector_load %arg7[%parallel_loop3A_355, %parallel_loop3A_356, %parallel_loop3A_357, %parallel_loop3A_358] {strides = array<i32>} : memref<2x8x32x128xf32, #tpu.memory_space<vmem>>, vector<16xf32>,
        tpu.vector_store %arg7[%parallel_loop3A_355, %parallel_loop3A_356, %parallel_loop3A_357, %parallel_loop3A_358], %parallel_loop3A_215 {strides = array<i32>} : memref<2x8x32x128xf32, #tpu.memory_space<vmem>>, vector<16xf32>,
        %parallel_loop3A_360 = arith.constant 16 : i32
        %parallel_loop3A_361 = arith.muli %parallel_loop3A_190, %parallel_loop3A_360 : i32
        %parallel_loop3A_362 = arith.constant 4 : i32
        %parallel_loop3A_363 = arith.index_cast %rem3A_72 : i32 to index
        %parallel_loop3A_364 = arith.index_cast %parallel_loop3A_188 : i32 to index
        %parallel_loop3A_365 = arith.index_cast %parallel_loop3A_362 : i32 to index
        %parallel_loop3A_366 = arith.index_cast %parallel_loop3A_361 : i32 to index
        %parallel_loop3A_367 = tpu.vector_load %arg7[%parallel_loop3A_363, %parallel_loop3A_364, %parallel_loop3A_365, %parallel_loop3A_366] {strides = array<i32>} : memref<2x8x32x128xf32, #tpu.memory_space<vmem>>, vector<16xf32>,
        tpu.vector_store %arg7[%parallel_loop3A_363, %parallel_loop3A_364, %parallel_loop3A_365, %parallel_loop3A_366], %parallel_loop3A_219 {strides = array<i32>} : memref<2x8x32x128xf32, #tpu.memory_space<vmem>>, vector<16xf32>,
        %parallel_loop3A_368 = arith.constant 16 : i32
        %parallel_loop3A_369 = arith.muli %parallel_loop3A_190, %parallel_loop3A_368 : i32
        %parallel_loop3A_370 = arith.constant 5 : i32
        %parallel_loop3A_371 = arith.index_cast %rem3A_72 : i32 to index
        %parallel_loop3A_372 = arith.index_cast %parallel_loop3A_188 : i32 to index
        %parallel_loop3A_373 = arith.index_cast %parallel_loop3A_370 : i32 to index
        %parallel_loop3A_374 = arith.index_cast %parallel_loop3A_369 : i32 to index
        %parallel_loop3A_375 = tpu.vector_load %arg7[%parallel_loop3A_371, %parallel_loop3A_372, %parallel_loop3A_373, %parallel_loop3A_374] {strides = array<i32>} : memref<2x8x32x128xf32, #tpu.memory_space<vmem>>, vector<16xf32>,
        tpu.vector_store %arg7[%parallel_loop3A_371, %parallel_loop3A_372, %parallel_loop3A_373, %parallel_loop3A_374], %parallel_loop3A_223 {strides = array<i32>} : memref<2x8x32x128xf32, #tpu.memory_space<vmem>>, vector<16xf32>,
        %parallel_loop3A_376 = arith.constant 16 : i32
        %parallel_loop3A_377 = arith.muli %parallel_loop3A_190, %parallel_loop3A_376 : i32
        %parallel_loop3A_378 = arith.constant 6 : i32
        %parallel_loop3A_379 = arith.index_cast %rem3A_72 : i32 to index
        %parallel_loop3A_380 = arith.index_cast %parallel_loop3A_188 : i32 to index
        %parallel_loop3A_381 = arith.index_cast %parallel_loop3A_378 : i32 to index
        %parallel_loop3A_382 = arith.index_cast %parallel_loop3A_377 : i32 to index
        %parallel_loop3A_383 = tpu.vector_load %arg7[%parallel_loop3A_379, %parallel_loop3A_380, %parallel_loop3A_381, %parallel_loop3A_382] {strides = array<i32>} : memref<2x8x32x128xf32, #tpu.memory_space<vmem>>, vector<16xf32>,
        tpu.vector_store %arg7[%parallel_loop3A_379, %parallel_loop3A_380, %parallel_loop3A_381, %parallel_loop3A_382], %parallel_loop3A_227 {strides = array<i32>} : memref<2x8x32x128xf32, #tpu.memory_space<vmem>>, vector<16xf32>,
        %parallel_loop3A_384 = arith.constant 16 : i32
        %parallel_loop3A_385 = arith.muli %parallel_loop3A_190, %parallel_loop3A_384 : i32
        %parallel_loop3A_386 = arith.constant 7 : i32
        %parallel_loop3A_387 = arith.index_cast %rem3A_72 : i32 to index
        %parallel_loop3A_388 = arith.index_cast %parallel_loop3A_188 : i32 to index
        %parallel_loop3A_389 = arith.index_cast %parallel_loop3A_386 : i32 to index
        %parallel_loop3A_390 = arith.index_cast %parallel_loop3A_385 : i32 to index
        %parallel_loop3A_391 = tpu.vector_load %arg7[%parallel_loop3A_387, %parallel_loop3A_388, %parallel_loop3A_389, %parallel_loop3A_390] {strides = array<i32>} : memref<2x8x32x128xf32, #tpu.memory_space<vmem>>, vector<16xf32>,
        tpu.vector_store %arg7[%parallel_loop3A_387, %parallel_loop3A_388, %parallel_loop3A_389, %parallel_loop3A_390], %parallel_loop3A_231 {strides = array<i32>} : memref<2x8x32x128xf32, #tpu.memory_space<vmem>>, vector<16xf32>,
        %parallel_loop3A_392 = arith.constant 16 : i32
        %parallel_loop3A_393 = arith.muli %parallel_loop3A_190, %parallel_loop3A_392 : i32
        %parallel_loop3A_394 = arith.constant 8 : i32
        %parallel_loop3A_395 = arith.index_cast %rem3A_72 : i32 to index
        %parallel_loop3A_396 = arith.index_cast %parallel_loop3A_188 : i32 to index
        %parallel_loop3A_397 = arith.index_cast %parallel_loop3A_394 : i32 to index
        %parallel_loop3A_398 = arith.index_cast %parallel_loop3A_393 : i32 to index
        %parallel_loop3A_399 = tpu.vector_load %arg7[%parallel_loop3A_395, %parallel_loop3A_396, %parallel_loop3A_397, %parallel_loop3A_398] {strides = array<i32>} : memref<2x8x32x128xf32, #tpu.memory_space<vmem>>, vector<16xf32>,
        tpu.vector_store %arg7[%parallel_loop3A_395, %parallel_loop3A_396, %parallel_loop3A_397, %parallel_loop3A_398], %parallel_loop3A_235 {strides = array<i32>} : memref<2x8x32x128xf32, #tpu.memory_space<vmem>>, vector<16xf32>,
        %parallel_loop3A_400 = arith.constant 16 : i32
        %parallel_loop3A_401 = arith.muli %parallel_loop3A_190, %parallel_loop3A_400 : i32
        %parallel_loop3A_402 = arith.constant 9 : i32
        %parallel_loop3A_403 = arith.index_cast %rem3A_72 : i32 to index
        %parallel_loop3A_404 = arith.index_cast %parallel_loop3A_188 : i32 to index
        %parallel_loop3A_405 = arith.index_cast %parallel_loop3A_402 : i32 to index
        %parallel_loop3A_406 = arith.index_cast %parallel_loop3A_401 : i32 to index
        %parallel_loop3A_407 = tpu.vector_load %arg7[%parallel_loop3A_403, %parallel_loop3A_404, %parallel_loop3A_405, %parallel_loop3A_406] {strides = array<i32>} : memref<2x8x32x128xf32, #tpu.memory_space<vmem>>, vector<16xf32>,
        tpu.vector_store %arg7[%parallel_loop3A_403, %parallel_loop3A_404, %parallel_loop3A_405, %parallel_loop3A_406], %parallel_loop3A_239 {strides = array<i32>} : memref<2x8x32x128xf32, #tpu.memory_space<vmem>>, vector<16xf32>,
        %parallel_loop3A_408 = arith.constant 16 : i32
        %parallel_loop3A_409 = arith.muli %parallel_loop3A_190, %parallel_loop3A_408 : i32
        %parallel_loop3A_410 = arith.constant 10 : i32
        %parallel_loop3A_411 = arith.index_cast %rem3A_72 : i32 to index
        %parallel_loop3A_412 = arith.index_cast %parallel_loop3A_188 : i32 to index
        %parallel_loop3A_413 = arith.index_cast %parallel_loop3A_410 : i32 to index
        %parallel_loop3A_414 = arith.index_cast %parallel_loop3A_409 : i32 to index
        %parallel_loop3A_415 = tpu.vector_load %arg7[%parallel_loop3A_411, %parallel_loop3A_412, %parallel_loop3A_413, %parallel_loop3A_414] {strides = array<i32>} : memref<2x8x32x128xf32, #tpu.memory_space<vmem>>, vector<16xf32>,
        tpu.vector_store %arg7[%parallel_loop3A_411, %parallel_loop3A_412, %parallel_loop3A_413, %parallel_loop3A_414], %parallel_loop3A_243 {strides = array<i32>} : memref<2x8x32x128xf32, #tpu.memory_space<vmem>>, vector<16xf32>,
        %parallel_loop3A_416 = arith.constant 16 : i32
        %parallel_loop3A_417 = arith.muli %parallel_loop3A_190, %parallel_loop3A_416 : i32
        %parallel_loop3A_418 = arith.constant 11 : i32
        %parallel_loop3A_419 = arith.index_cast %rem3A_72 : i32 to index
        %parallel_loop3A_420 = arith.index_cast %parallel_loop3A_188 : i32 to index
        %parallel_loop3A_421 = arith.index_cast %parallel_loop3A_418 : i32 to index
        %parallel_loop3A_422 = arith.index_cast %parallel_loop3A_417 : i32 to index
        %parallel_loop3A_423 = tpu.vector_load %arg7[%parallel_loop3A_419, %parallel_loop3A_420, %parallel_loop3A_421, %parallel_loop3A_422] {strides = array<i32>} : memref<2x8x32x128xf32, #tpu.memory_space<vmem>>, vector<16xf32>,
        tpu.vector_store %arg7[%parallel_loop3A_419, %parallel_loop3A_420, %parallel_loop3A_421, %parallel_loop3A_422], %parallel_loop3A_247 {strides = array<i32>} : memref<2x8x32x128xf32, #tpu.memory_space<vmem>>, vector<16xf32>,
        %parallel_loop3A_424 = arith.constant 16 : i32
        %parallel_loop3A_425 = arith.muli %parallel_loop3A_190, %parallel_loop3A_424 : i32
        %parallel_loop3A_426 = arith.constant 12 : i32
        %parallel_loop3A_427 = arith.index_cast %rem3A_72 : i32 to index
        %parallel_loop3A_428 = arith.index_cast %parallel_loop3A_188 : i32 to index
        %parallel_loop3A_429 = arith.index_cast %parallel_loop3A_426 : i32 to index
        %parallel_loop3A_430 = arith.index_cast %parallel_loop3A_425 : i32 to index
        %parallel_loop3A_431 = tpu.vector_load %arg7[%parallel_loop3A_427, %parallel_loop3A_428, %parallel_loop3A_429, %parallel_loop3A_430] {strides = array<i32>} : memref<2x8x32x128xf32, #tpu.memory_space<vmem>>, vector<16xf32>,
        tpu.vector_store %arg7[%parallel_loop3A_427, %parallel_loop3A_428, %parallel_loop3A_429, %parallel_loop3A_430], %parallel_loop3A_251 {strides = array<i32>} : memref<2x8x32x128xf32, #tpu.memory_space<vmem>>, vector<16xf32>,
        %parallel_loop3A_432 = arith.constant 16 : i32
        %parallel_loop3A_433 = arith.muli %parallel_loop3A_190, %parallel_loop3A_432 : i32
        %parallel_loop3A_434 = arith.constant 13 : i32
        %parallel_loop3A_435 = arith.index_cast %rem3A_72 : i32 to index
        %parallel_loop3A_436 = arith.index_cast %parallel_loop3A_188 : i32 to index
        %parallel_loop3A_437 = arith.index_cast %parallel_loop3A_434 : i32 to index
        %parallel_loop3A_438 = arith.index_cast %parallel_loop3A_433 : i32 to index
        %parallel_loop3A_439 = tpu.vector_load %arg7[%parallel_loop3A_435, %parallel_loop3A_436, %parallel_loop3A_437, %parallel_loop3A_438] {strides = array<i32>} : memref<2x8x32x128xf32, #tpu.memory_space<vmem>>, vector<16xf32>,
        tpu.vector_store %arg7[%parallel_loop3A_435, %parallel_loop3A_436, %parallel_loop3A_437, %parallel_loop3A_438], %parallel_loop3A_255 {strides = array<i32>} : memref<2x8x32x128xf32, #tpu.memory_space<vmem>>, vector<16xf32>,
        %parallel_loop3A_440 = arith.constant 16 : i32
        %parallel_loop3A_441 = arith.muli %parallel_loop3A_190, %parallel_loop3A_440 : i32
        %parallel_loop3A_442 = arith.constant 14 : i32
        %parallel_loop3A_443 = arith.index_cast %rem3A_72 : i32 to index
        %parallel_loop3A_444 = arith.index_cast %parallel_loop3A_188 : i32 to index
        %parallel_loop3A_445 = arith.index_cast %parallel_loop3A_442 : i32 to index
        %parallel_loop3A_446 = arith.index_cast %parallel_loop3A_441 : i32 to index
        %parallel_loop3A_447 = tpu.vector_load %arg7[%parallel_loop3A_443, %parallel_loop3A_444, %parallel_loop3A_445, %parallel_loop3A_446] {strides = array<i32>} : memref<2x8x32x128xf32, #tpu.memory_space<vmem>>, vector<16xf32>,
        tpu.vector_store %arg7[%parallel_loop3A_443, %parallel_loop3A_444, %parallel_loop3A_445, %parallel_loop3A_446], %parallel_loop3A_259 {strides = array<i32>} : memref<2x8x32x128xf32, #tpu.memory_space<vmem>>, vector<16xf32>,
        %parallel_loop3A_448 = arith.constant 16 : i32
        %parallel_loop3A_449 = arith.muli %parallel_loop3A_190, %parallel_loop3A_448 : i32
        %parallel_loop3A_450 = arith.constant 15 : i32
        %parallel_loop3A_451 = arith.index_cast %rem3A_72 : i32 to index
        %parallel_loop3A_452 = arith.index_cast %parallel_loop3A_188 : i32 to index
        %parallel_loop3A_453 = arith.index_cast %parallel_loop3A_450 : i32 to index
        %parallel_loop3A_454 = arith.index_cast %parallel_loop3A_449 : i32 to index
        %parallel_loop3A_455 = tpu.vector_load %arg7[%parallel_loop3A_451, %parallel_loop3A_452, %parallel_loop3A_453, %parallel_loop3A_454] {strides = array<i32>} : memref<2x8x32x128xf32, #tpu.memory_space<vmem>>, vector<16xf32>,
        tpu.vector_store %arg7[%parallel_loop3A_451, %parallel_loop3A_452, %parallel_loop3A_453, %parallel_loop3A_454], %parallel_loop3A_263 {strides = array<i32>} : memref<2x8x32x128xf32, #tpu.memory_space<vmem>>, vector<16xf32>,
        %parallel_loop3A_456 = arith.constant 16 : i32
        %parallel_loop3A_457 = arith.muli %parallel_loop3A_190, %parallel_loop3A_456 : i32
        %parallel_loop3A_458 = arith.constant 16 : i32
        %parallel_loop3A_459 = arith.index_cast %rem3A_72 : i32 to index
        %parallel_loop3A_460 = arith.index_cast %parallel_loop3A_188 : i32 to index
        %parallel_loop3A_461 = arith.index_cast %parallel_loop3A_458 : i32 to index
        %parallel_loop3A_462 = arith.index_cast %parallel_loop3A_457 : i32 to index
        %parallel_loop3A_463 = tpu.vector_load %arg7[%parallel_loop3A_459, %parallel_loop3A_460, %parallel_loop3A_461, %parallel_loop3A_462] {strides = array<i32>} : memref<2x8x32x128xf32, #tpu.memory_space<vmem>>, vector<16xf32>,
        tpu.vector_store %arg7[%parallel_loop3A_459, %parallel_loop3A_460, %parallel_loop3A_461, %parallel_loop3A_462], %parallel_loop3A_267 {strides = array<i32>} : memref<2x8x32x128xf32, #tpu.memory_space<vmem>>, vector<16xf32>,
        %parallel_loop3A_464 = arith.constant 16 : i32
        %parallel_loop3A_465 = arith.muli %parallel_loop3A_190, %parallel_loop3A_464 : i32
        %parallel_loop3A_466 = arith.constant 17 : i32
        %parallel_loop3A_467 = arith.index_cast %rem3A_72 : i32 to index
        %parallel_loop3A_468 = arith.index_cast %parallel_loop3A_188 : i32 to index
        %parallel_loop3A_469 = arith.index_cast %parallel_loop3A_466 : i32 to index
        %parallel_loop3A_470 = arith.index_cast %parallel_loop3A_465 : i32 to index
        %parallel_loop3A_471 = tpu.vector_load %arg7[%parallel_loop3A_467, %parallel_loop3A_468, %parallel_loop3A_469, %parallel_loop3A_470] {strides = array<i32>} : memref<2x8x32x128xf32, #tpu.memory_space<vmem>>, vector<16xf32>,
        tpu.vector_store %arg7[%parallel_loop3A_467, %parallel_loop3A_468, %parallel_loop3A_469, %parallel_loop3A_470], %parallel_loop3A_271 {strides = array<i32>} : memref<2x8x32x128xf32, #tpu.memory_space<vmem>>, vector<16xf32>,
        %parallel_loop3A_472 = arith.constant 16 : i32
        %parallel_loop3A_473 = arith.muli %parallel_loop3A_190, %parallel_loop3A_472 : i32
        %parallel_loop3A_474 = arith.constant 18 : i32
        %parallel_loop3A_475 = arith.index_cast %rem3A_72 : i32 to index
        %parallel_loop3A_476 = arith.index_cast %parallel_loop3A_188 : i32 to index
        %parallel_loop3A_477 = arith.index_cast %parallel_loop3A_474 : i32 to index
        %parallel_loop3A_478 = arith.index_cast %parallel_loop3A_473 : i32 to index
        %parallel_loop3A_479 = tpu.vector_load %arg7[%parallel_loop3A_475, %parallel_loop3A_476, %parallel_loop3A_477, %parallel_loop3A_478] {strides = array<i32>} : memref<2x8x32x128xf32, #tpu.memory_space<vmem>>, vector<16xf32>,
        tpu.vector_store %arg7[%parallel_loop3A_475, %parallel_loop3A_476, %parallel_loop3A_477, %parallel_loop3A_478], %parallel_loop3A_275 {strides = array<i32>} : memref<2x8x32x128xf32, #tpu.memory_space<vmem>>, vector<16xf32>,
        %parallel_loop3A_480 = arith.constant 16 : i32
        %parallel_loop3A_481 = arith.muli %parallel_loop3A_190, %parallel_loop3A_480 : i32
        %parallel_loop3A_482 = arith.constant 19 : i32
        %parallel_loop3A_483 = arith.index_cast %rem3A_72 : i32 to index
        %parallel_loop3A_484 = arith.index_cast %parallel_loop3A_188 : i32 to index
        %parallel_loop3A_485 = arith.index_cast %parallel_loop3A_482 : i32 to index
        %parallel_loop3A_486 = arith.index_cast %parallel_loop3A_481 : i32 to index
        %parallel_loop3A_487 = tpu.vector_load %arg7[%parallel_loop3A_483, %parallel_loop3A_484, %parallel_loop3A_485, %parallel_loop3A_486] {strides = array<i32>} : memref<2x8x32x128xf32, #tpu.memory_space<vmem>>, vector<16xf32>,
        tpu.vector_store %arg7[%parallel_loop3A_483, %parallel_loop3A_484, %parallel_loop3A_485, %parallel_loop3A_486], %parallel_loop3A_279 {strides = array<i32>} : memref<2x8x32x128xf32, #tpu.memory_space<vmem>>, vector<16xf32>,
        %parallel_loop3A_488 = arith.constant 16 : i32
        %parallel_loop3A_489 = arith.muli %parallel_loop3A_190, %parallel_loop3A_488 : i32
        %parallel_loop3A_490 = arith.constant 20 : i32
        %parallel_loop3A_491 = arith.index_cast %rem3A_72 : i32 to index
        %parallel_loop3A_492 = arith.index_cast %parallel_loop3A_188 : i32 to index
        %parallel_loop3A_493 = arith.index_cast %parallel_loop3A_490 : i32 to index
        %parallel_loop3A_494 = arith.index_cast %parallel_loop3A_489 : i32 to index
        %parallel_loop3A_495 = tpu.vector_load %arg7[%parallel_loop3A_491, %parallel_loop3A_492, %parallel_loop3A_493, %parallel_loop3A_494] {strides = array<i32>} : memref<2x8x32x128xf32, #tpu.memory_space<vmem>>, vector<16xf32>,
        tpu.vector_store %arg7[%parallel_loop3A_491, %parallel_loop3A_492, %parallel_loop3A_493, %parallel_loop3A_494], %parallel_loop3A_283 {strides = array<i32>} : memref<2x8x32x128xf32, #tpu.memory_space<vmem>>, vector<16xf32>,
        %parallel_loop3A_496 = arith.constant 16 : i32
        %parallel_loop3A_497 = arith.muli %parallel_loop3A_190, %parallel_loop3A_496 : i32
        %parallel_loop3A_498 = arith.constant 21 : i32
        %parallel_loop3A_499 = arith.index_cast %rem3A_72 : i32 to index
        %parallel_loop3A_500 = arith.index_cast %parallel_loop3A_188 : i32 to index
        %parallel_loop3A_501 = arith.index_cast %parallel_loop3A_498 : i32 to index
        %parallel_loop3A_502 = arith.index_cast %parallel_loop3A_497 : i32 to index
        %parallel_loop3A_503 = tpu.vector_load %arg7[%parallel_loop3A_499, %parallel_loop3A_500, %parallel_loop3A_501, %parallel_loop3A_502] {strides = array<i32>} : memref<2x8x32x128xf32, #tpu.memory_space<vmem>>, vector<16xf32>,
        tpu.vector_store %arg7[%parallel_loop3A_499, %parallel_loop3A_500, %parallel_loop3A_501, %parallel_loop3A_502], %parallel_loop3A_287 {strides = array<i32>} : memref<2x8x32x128xf32, #tpu.memory_space<vmem>>, vector<16xf32>,
        %parallel_loop3A_504 = arith.constant 16 : i32
        %parallel_loop3A_505 = arith.muli %parallel_loop3A_190, %parallel_loop3A_504 : i32
        %parallel_loop3A_506 = arith.constant 22 : i32
        %parallel_loop3A_507 = arith.index_cast %rem3A_72 : i32 to index
        %parallel_loop3A_508 = arith.index_cast %parallel_loop3A_188 : i32 to index
        %parallel_loop3A_509 = arith.index_cast %parallel_loop3A_506 : i32 to index
        %parallel_loop3A_510 = arith.index_cast %parallel_loop3A_505 : i32 to index
        %parallel_loop3A_511 = tpu.vector_load %arg7[%parallel_loop3A_507, %parallel_loop3A_508, %parallel_loop3A_509, %parallel_loop3A_510] {strides = array<i32>} : memref<2x8x32x128xf32, #tpu.memory_space<vmem>>, vector<16xf32>,
        tpu.vector_store %arg7[%parallel_loop3A_507, %parallel_loop3A_508, %parallel_loop3A_509, %parallel_loop3A_510], %parallel_loop3A_291 {strides = array<i32>} : memref<2x8x32x128xf32, #tpu.memory_space<vmem>>, vector<16xf32>,
        %parallel_loop3A_512 = arith.constant 16 : i32
        %parallel_loop3A_513 = arith.muli %parallel_loop3A_190, %parallel_loop3A_512 : i32
        %parallel_loop3A_514 = arith.constant 23 : i32
        %parallel_loop3A_515 = arith.index_cast %rem3A_72 : i32 to index
        %parallel_loop3A_516 = arith.index_cast %parallel_loop3A_188 : i32 to index
        %parallel_loop3A_517 = arith.index_cast %parallel_loop3A_514 : i32 to index
        %parallel_loop3A_518 = arith.index_cast %parallel_loop3A_513 : i32 to index
        %parallel_loop3A_519 = tpu.vector_load %arg7[%parallel_loop3A_515, %parallel_loop3A_516, %parallel_loop3A_517, %parallel_loop3A_518] {strides = array<i32>} : memref<2x8x32x128xf32, #tpu.memory_space<vmem>>, vector<16xf32>,
        tpu.vector_store %arg7[%parallel_loop3A_515, %parallel_loop3A_516, %parallel_loop3A_517, %parallel_loop3A_518], %parallel_loop3A_295 {strides = array<i32>} : memref<2x8x32x128xf32, #tpu.memory_space<vmem>>, vector<16xf32>,
        %parallel_loop3A_520 = arith.constant 16 : i32
        %parallel_loop3A_521 = arith.muli %parallel_loop3A_190, %parallel_loop3A_520 : i32
        %parallel_loop3A_522 = arith.constant 24 : i32
        %parallel_loop3A_523 = arith.index_cast %rem3A_72 : i32 to index
        %parallel_loop3A_524 = arith.index_cast %parallel_loop3A_188 : i32 to index
        %parallel_loop3A_525 = arith.index_cast %parallel_loop3A_522 : i32 to index
        %parallel_loop3A_526 = arith.index_cast %parallel_loop3A_521 : i32 to index
        %parallel_loop3A_527 = tpu.vector_load %arg7[%parallel_loop3A_523, %parallel_loop3A_524, %parallel_loop3A_525, %parallel_loop3A_526] {strides = array<i32>} : memref<2x8x32x128xf32, #tpu.memory_space<vmem>>, vector<16xf32>,
        tpu.vector_store %arg7[%parallel_loop3A_523, %parallel_loop3A_524, %parallel_loop3A_525, %parallel_loop3A_526], %parallel_loop3A_299 {strides = array<i32>} : memref<2x8x32x128xf32, #tpu.memory_space<vmem>>, vector<16xf32>,
        %parallel_loop3A_528 = arith.constant 16 : i32
        %parallel_loop3A_529 = arith.muli %parallel_loop3A_190, %parallel_loop3A_528 : i32
        %parallel_loop3A_530 = arith.constant 25 : i32
        %parallel_loop3A_531 = arith.index_cast %rem3A_72 : i32 to index
        %parallel_loop3A_532 = arith.index_cast %parallel_loop3A_188 : i32 to index
        %parallel_loop3A_533 = arith.index_cast %parallel_loop3A_530 : i32 to index
        %parallel_loop3A_534 = arith.index_cast %parallel_loop3A_529 : i32 to index
        %parallel_loop3A_535 = tpu.vector_load %arg7[%parallel_loop3A_531, %parallel_loop3A_532, %parallel_loop3A_533, %parallel_loop3A_534] {strides = array<i32>} : memref<2x8x32x128xf32, #tpu.memory_space<vmem>>, vector<16xf32>,
        tpu.vector_store %arg7[%parallel_loop3A_531, %parallel_loop3A_532, %parallel_loop3A_533, %parallel_loop3A_534], %parallel_loop3A_303 {strides = array<i32>} : memref<2x8x32x128xf32, #tpu.memory_space<vmem>>, vector<16xf32>,
        %parallel_loop3A_536 = arith.constant 16 : i32
        %parallel_loop3A_537 = arith.muli %parallel_loop3A_190, %parallel_loop3A_536 : i32
        %parallel_loop3A_538 = arith.constant 26 : i32
        %parallel_loop3A_539 = arith.index_cast %rem3A_72 : i32 to index
        %parallel_loop3A_540 = arith.index_cast %parallel_loop3A_188 : i32 to index
        %parallel_loop3A_541 = arith.index_cast %parallel_loop3A_538 : i32 to index
        %parallel_loop3A_542 = arith.index_cast %parallel_loop3A_537 : i32 to index
        %parallel_loop3A_543 = tpu.vector_load %arg7[%parallel_loop3A_539, %parallel_loop3A_540, %parallel_loop3A_541, %parallel_loop3A_542] {strides = array<i32>} : memref<2x8x32x128xf32, #tpu.memory_space<vmem>>, vector<16xf32>,
        tpu.vector_store %arg7[%parallel_loop3A_539, %parallel_loop3A_540, %parallel_loop3A_541, %parallel_loop3A_542], %parallel_loop3A_307 {strides = array<i32>} : memref<2x8x32x128xf32, #tpu.memory_space<vmem>>, vector<16xf32>,
        %parallel_loop3A_544 = arith.constant 16 : i32
        %parallel_loop3A_545 = arith.muli %parallel_loop3A_190, %parallel_loop3A_544 : i32
        %parallel_loop3A_546 = arith.constant 27 : i32
        %parallel_loop3A_547 = arith.index_cast %rem3A_72 : i32 to index
        %parallel_loop3A_548 = arith.index_cast %parallel_loop3A_188 : i32 to index
        %parallel_loop3A_549 = arith.index_cast %parallel_loop3A_546 : i32 to index
        %parallel_loop3A_550 = arith.index_cast %parallel_loop3A_545 : i32 to index
        %parallel_loop3A_551 = tpu.vector_load %arg7[%parallel_loop3A_547, %parallel_loop3A_548, %parallel_loop3A_549, %parallel_loop3A_550] {strides = array<i32>} : memref<2x8x32x128xf32, #tpu.memory_space<vmem>>, vector<16xf32>,
        tpu.vector_store %arg7[%parallel_loop3A_547, %parallel_loop3A_548, %parallel_loop3A_549, %parallel_loop3A_550], %parallel_loop3A_311 {strides = array<i32>} : memref<2x8x32x128xf32, #tpu.memory_space<vmem>>, vector<16xf32>,
        %parallel_loop3A_552 = arith.constant 16 : i32
        %parallel_loop3A_553 = arith.muli %parallel_loop3A_190, %parallel_loop3A_552 : i32
        %parallel_loop3A_554 = arith.constant 28 : i32
        %parallel_loop3A_555 = arith.index_cast %rem3A_72 : i32 to index
        %parallel_loop3A_556 = arith.index_cast %parallel_loop3A_188 : i32 to index
        %parallel_loop3A_557 = arith.index_cast %parallel_loop3A_554 : i32 to index
        %parallel_loop3A_558 = arith.index_cast %parallel_loop3A_553 : i32 to index
        %parallel_loop3A_559 = tpu.vector_load %arg7[%parallel_loop3A_555, %parallel_loop3A_556, %parallel_loop3A_557, %parallel_loop3A_558] {strides = array<i32>} : memref<2x8x32x128xf32, #tpu.memory_space<vmem>>, vector<16xf32>,
        tpu.vector_store %arg7[%parallel_loop3A_555, %parallel_loop3A_556, %parallel_loop3A_557, %parallel_loop3A_558], %parallel_loop3A_315 {strides = array<i32>} : memref<2x8x32x128xf32, #tpu.memory_space<vmem>>, vector<16xf32>,
        %parallel_loop3A_560 = arith.constant 16 : i32
        %parallel_loop3A_561 = arith.muli %parallel_loop3A_190, %parallel_loop3A_560 : i32
        %parallel_loop3A_562 = arith.constant 29 : i32
        %parallel_loop3A_563 = arith.index_cast %rem3A_72 : i32 to index
        %parallel_loop3A_564 = arith.index_cast %parallel_loop3A_188 : i32 to index
        %parallel_loop3A_565 = arith.index_cast %parallel_loop3A_562 : i32 to index
        %parallel_loop3A_566 = arith.index_cast %parallel_loop3A_561 : i32 to index
        %parallel_loop3A_567 = tpu.vector_load %arg7[%parallel_loop3A_563, %parallel_loop3A_564, %parallel_loop3A_565, %parallel_loop3A_566] {strides = array<i32>} : memref<2x8x32x128xf32, #tpu.memory_space<vmem>>, vector<16xf32>,
        tpu.vector_store %arg7[%parallel_loop3A_563, %parallel_loop3A_564, %parallel_loop3A_565, %parallel_loop3A_566], %parallel_loop3A_319 {strides = array<i32>} : memref<2x8x32x128xf32, #tpu.memory_space<vmem>>, vector<16xf32>,
        %parallel_loop3A_568 = arith.constant 16 : i32
        %parallel_loop3A_569 = arith.muli %parallel_loop3A_190, %parallel_loop3A_568 : i32
        %parallel_loop3A_570 = arith.constant 30 : i32
        %parallel_loop3A_571 = arith.index_cast %rem3A_72 : i32 to index
        %parallel_loop3A_572 = arith.index_cast %parallel_loop3A_188 : i32 to index
        %parallel_loop3A_573 = arith.index_cast %parallel_loop3A_570 : i32 to index
        %parallel_loop3A_574 = arith.index_cast %parallel_loop3A_569 : i32 to index
        %parallel_loop3A_575 = tpu.vector_load %arg7[%parallel_loop3A_571, %parallel_loop3A_572, %parallel_loop3A_573, %parallel_loop3A_574] {strides = array<i32>} : memref<2x8x32x128xf32, #tpu.memory_space<vmem>>, vector<16xf32>,
        tpu.vector_store %arg7[%parallel_loop3A_571, %parallel_loop3A_572, %parallel_loop3A_573, %parallel_loop3A_574], %parallel_loop3A_323 {strides = array<i32>} : memref<2x8x32x128xf32, #tpu.memory_space<vmem>>, vector<16xf32>,
        %parallel_loop3A_576 = arith.constant 16 : i32
        %parallel_loop3A_577 = arith.muli %parallel_loop3A_190, %parallel_loop3A_576 : i32
        %parallel_loop3A_578 = arith.constant 31 : i32
        %parallel_loop3A_579 = arith.index_cast %rem3A_72 : i32 to index
        %parallel_loop3A_580 = arith.index_cast %parallel_loop3A_188 : i32 to index
        %parallel_loop3A_581 = arith.index_cast %parallel_loop3A_578 : i32 to index
        %parallel_loop3A_582 = arith.index_cast %parallel_loop3A_577 : i32 to index
        %parallel_loop3A_583 = tpu.vector_load %arg7[%parallel_loop3A_579, %parallel_loop3A_580, %parallel_loop3A_581, %parallel_loop3A_582] {strides = array<i32>} : memref<2x8x32x128xf32, #tpu.memory_space<vmem>>, vector<16xf32>,
        tpu.vector_store %arg7[%parallel_loop3A_579, %parallel_loop3A_580, %parallel_loop3A_581, %parallel_loop3A_582], %parallel_loop3A_327 {strides = array<i32>} : memref<2x8x32x128xf32, #tpu.memory_space<vmem>>, vector<16xf32>,
      } {sc.loop_unroll_factor = 1 : i64, sc.parallel_access}
      %rem3A_119 = arith.constant 25 : i32
      %rem3A_120 = arith.remsi %add3A_70, %rem3A_119 : i32
      %jit3A_121 = arith.constant 25 : i32
      %div3A_122 = arith.divsi %add3A_70, %jit3A_121 : i32
      %sign3A_123 = arith.constant 0 : i32
      %sign3A_124 = arith.cmpi sgt, %add3A_70, %sign3A_123 : i32
      %sign3A_125 = arith.extui %sign3A_124 : i1 to i32
      %sign3A_126 = arith.constant 0 : i32
      %sign3A_127 = arith.cmpi slt, %add3A_70, %sign3A_126 : i32
      %sign3A_128 = arith.extui %sign3A_127 : i1 to i32
      %sign3A_129 = arith.subi %sign3A_125, %sign3A_128 : i32
      %sign3A_130 = arith.constant 0 : i32
      %sign3A_131 = arith.cmpi sgt, %jit3A_121, %sign3A_130 : i32
      %sign3A_132 = arith.extui %sign3A_131 : i1 to i32
      %sign3A_133 = arith.constant 0 : i32
      %sign3A_134 = arith.cmpi slt, %jit3A_121, %sign3A_133 : i32
      %sign3A_135 = arith.extui %sign3A_134 : i1 to i32
      %sign3A_136 = arith.subi %sign3A_132, %sign3A_135 : i32
      %ne3A_137 = arith.cmpi ne, %sign3A_129, %sign3A_136 : i32
      %rem3A_138 = arith.remsi %add3A_70, %jit3A_121 : i32
      %ne3A_139 = arith.constant 0 : i32
      %ne3A_140 = arith.cmpi ne, %rem3A_138, %ne3A_139 : i32
      %and3A_141 = arith.andi %ne3A_137, %ne3A_140 : i1
      %sub3A_142 = arith.constant 1 : i32
      %sub3A_143 = arith.subi %div3A_122, %sub3A_142 : i32
      %select_n3A_144 = arith.select %and3A_141, %sub3A_143, %div3A_122 : i32
      %mul3A_145 = arith.constant 8 : i32
      %mul3A_146 = arith.muli %rem3A_120, %mul3A_145 : i32
      %mul3A_147 = arith.constant 128 : i32
      %mul3A_148 = arith.muli %select_n3A_144, %mul3A_147 : i32
      %add3A_149 = arith.addi %mul3A_2, %mul3A_148 : i32
      %dma_start3A_150 = arith.constant 0 : i32
      %dma_start3A_151 = arith.constant 0 : i32
      %dma_start3A_152 = arith.constant 0 : i32
      %dma_start3A_153 = tpu.memref_slice %arg7[%rem3A_72, %dma_start3A_150, %dma_start3A_151, %dma_start3A_152] : memref<2x8x32x128xf32, #tpu.memory_space<vmem>> -> memref<1x8x32x128xf32, #tpu.memory_space<vmem>>
      %dma_start3A_154 = tpu.memref_squeeze %dma_start3A_153 : memref<1x8x32x128xf32, #tpu.memory_space<vmem>> -> memref<8x32x128xf32, #tpu.memory_space<vmem>>
      %dma_start3A_155 = arith.constant 0 : i32
      %dma_start3A_156 = tpu.memref_slice %arg4[%mul3A_146, %dma_start3A_155, %add3A_149] : memref<200x32x16384xf32, #tpu.memory_space<hbm>> -> memref<8x32x128xf32, #tpu.memory_space<hbm>>
      %dma_start3A_157 = arith.constant 0 : i32
      %dma_start3A_158 = tpu.memref_slice %arg4[%mul3A_146, %dma_start3A_157, %add3A_149] : memref<200x32x16384xf32, #tpu.memory_space<hbm>> -> memref<8x32x128xf32, #tpu.memory_space<hbm>>
      %dma_start3A_159 = arith.constant 0 : i32
      %dma_start3A_160 = arith.constant 0 : i32
      %dma_start3A_161 = arith.constant 0 : i32
      %dma_start3A_162 = tpu.memref_slice %arg7[%rem3A_72, %dma_start3A_159, %dma_start3A_160, %dma_start3A_161] : memref<2x8x32x128xf32, #tpu.memory_space<vmem>> -> memref<1x8x32x128xf32, #tpu.memory_space<vmem>>
      %dma_start3A_163 = tpu.memref_squeeze %dma_start3A_162 : memref<1x8x32x128xf32, #tpu.memory_space<vmem>> -> memref<8x32x128xf32, #tpu.memory_space<vmem>>
      tpu.enqueue_dma source(%dma_start3A_163 : memref<8x32x128xf32, #tpu.memory_space<vmem>>) target(%dma_start3A_158 : memref<8x32x128xf32, #tpu.memory_space<hbm>>) target_semaphore(%arg10 : memref<!tpu.dma_semaphore, #tpu.memory_space<semaphore_mem>>)
    }
    %scan3A_22 = arith.constant 100 : i32
    %rem3A_23 = arith.constant 98 : i32
    %rem3A_24 = arith.constant 25 : i32
    %rem3A_25 = arith.remsi %rem3A_23, %rem3A_24 : i32
    %mul3A_26 = arith.constant 8 : i32
    %mul3A_27 = arith.muli %rem3A_25, %mul3A_26 : i32
    %add3A_28 = arith.constant 384 : i32
    %add3A_29 = arith.addi %mul3A_2, %add3A_28 : i32
    %dma_wait3A = arith.constant 0 : i32
    %dma_wait3A_30 = arith.constant 0 : i32
    %dma_wait3A_31 = arith.constant 0 : i32
    %dma_wait3A_32 = arith.constant 0 : i32
    %dma_wait3A_33 = tpu.memref_slice %arg7[%dma_wait3A, %dma_wait3A_30, %dma_wait3A_31, %dma_wait3A_32] : memref<2x8x32x128xf32, #tpu.memory_space<vmem>> -> memref<1x8x32x128xf32, #tpu.memory_space<vmem>>
    %dma_wait3A_34 = tpu.memref_squeeze %dma_wait3A_33 : memref<1x8x32x128xf32, #tpu.memory_space<vmem>> -> memref<8x32x128xf32, #tpu.memory_space<vmem>>
    %dma_wait3A_35 = arith.constant 0 : i32
    %dma_wait3A_36 = tpu.memref_slice %arg4[%mul3A_27, %dma_wait3A_35, %add3A_29] : memref<200x32x16384xf32, #tpu.memory_space<hbm>> -> memref<8x32x128xf32, #tpu.memory_space<hbm>>
    %dma_wait3A_37 = arith.constant 0 : i32
    %dma_wait3A_38 = tpu.memref_slice %arg4[%mul3A_27, %dma_wait3A_37, %add3A_29] : memref<200x32x16384xf32, #tpu.memory_space<hbm>> -> memref<8x32x128xf32, #tpu.memory_space<hbm>>
    %dma_wait3A_39 = arith.constant 0 : i32
    %dma_wait3A_40 = arith.constant 0 : i32
    %dma_wait3A_41 = arith.constant 0 : i32
    %dma_wait3A_42 = tpu.memref_slice %arg7[%dma_wait3A, %dma_wait3A_39, %dma_wait3A_40, %dma_wait3A_41] : memref<2x8x32x128xf32, #tpu.memory_space<vmem>> -> memref<1x8x32x128xf32, #tpu.memory_space<vmem>>
    %dma_wait3A_43 = tpu.memref_squeeze %dma_wait3A_42 : memref<1x8x32x128xf32, #tpu.memory_space<vmem>> -> memref<8x32x128xf32, #tpu.memory_space<vmem>>
    tpu.wait_dma2 semaphore(%arg10 : memref<!tpu.dma_semaphore, #tpu.memory_space<semaphore_mem>>) src(%dma_wait3A_43 : memref<8x32x128xf32, #tpu.memory_space<vmem>>) dst(%dma_wait3A_38 : memref<8x32x128xf32, #tpu.memory_space<hbm>>)
    %rem3A_44 = arith.constant 99 : i32
    %rem3A_45 = arith.constant 25 : i32
    %rem3A_46 = arith.remsi %rem3A_44, %rem3A_45 : i32
    %mul3A_47 = arith.constant 8 : i32
    %mul3A_48 = arith.muli %rem3A_46, %mul3A_47 : i32
    %add3A_49 = arith.constant 384 : i32
    %add3A_50 = arith.addi %mul3A_2, %add3A_49 : i32
    %dma_wait3A_51 = arith.constant 1 : i32
    %dma_wait3A_52 = arith.constant 0 : i32
    %dma_wait3A_53 = arith.constant 0 : i32
    %dma_wait3A_54 = arith.constant 0 : i32
    %dma_wait3A_55 = tpu.memref_slice %arg7[%dma_wait3A_51, %dma_wait3A_52, %dma_wait3A_53, %dma_wait3A_54] : memref<2x8x32x128xf32, #tpu.memory_space<vmem>> -> memref<1x8x32x128xf32, #tpu.memory_space<vmem>>
    %dma_wait3A_56 = tpu.memref_squeeze %dma_wait3A_55 : memref<1x8x32x128xf32, #tpu.memory_space<vmem>> -> memref<8x32x128xf32, #tpu.memory_space<vmem>>
    %dma_wait3A_57 = arith.constant 0 : i32
    %dma_wait3A_58 = tpu.memref_slice %arg4[%mul3A_48, %dma_wait3A_57, %add3A_50] : memref<200x32x16384xf32, #tpu.memory_space<hbm>> -> memref<8x32x128xf32, #tpu.memory_space<hbm>>
    %dma_wait3A_59 = arith.constant 0 : i32
    %dma_wait3A_60 = tpu.memref_slice %arg4[%mul3A_48, %dma_wait3A_59, %add3A_50] : memref<200x32x16384xf32, #tpu.memory_space<hbm>> -> memref<8x32x128xf32, #tpu.memory_space<hbm>>
    %dma_wait3A_61 = arith.constant 0 : i32
    %dma_wait3A_62 = arith.constant 0 : i32
    %dma_wait3A_63 = arith.constant 0 : i32
    %dma_wait3A_64 = tpu.memref_slice %arg7[%dma_wait3A_51, %dma_wait3A_61, %dma_wait3A_62, %dma_wait3A_63] : memref<2x8x32x128xf32, #tpu.memory_space<vmem>> -> memref<1x8x32x128xf32, #tpu.memory_space<vmem>>
    %dma_wait3A_65 = tpu.memref_squeeze %dma_wait3A_64 : memref<1x8x32x128xf32, #tpu.memory_space<vmem>> -> memref<8x32x128xf32, #tpu.memory_space<vmem>>
    tpu.wait_dma2 semaphore(%arg10 : memref<!tpu.dma_semaphore, #tpu.memory_space<semaphore_mem>>) src(%dma_wait3A_65 : memref<8x32x128xf32, #tpu.memory_space<vmem>>) dst(%dma_wait3A_60 : memref<8x32x128xf32, #tpu.memory_space<hbm>>)
    return
  }
}

</mosaic_0001>

<sc_bundles>
// kernel: kernel.3.cloned.1.call-start
scs
__scs_entry_jumppad:
0x0: {  	(pc) =	sbr.rel $0x88, $3  }
0x1: {  	(tag) =	ssettag $0x0;
	lr =	simm.s32 $0x1  }
0x2: {  	[smem:$0x3F9F] =	sst lr;
	_ =	strace $0xD0000000  }
0x3: {  	_ = 	snop  }
0x4: {  	_ = 	snop  }
0x5: {  	_ = 	snop  }
0x6: {  	_ = 	snop  }
0x7: {  	_ = 	snop  }
__scs_overlays_trampoline_lowered:
0x8: {  	[smem:$0x3FAE] =	sst s0  }
0x9: {  	[smem:$0x3FAF] =	sst s1  }
0xa: {  	[smem:$0x3FB0] =	sst s2  }
0xb: {  	[smem:$0x3FB1] =	sst s3  }
0xc: {  	[smem:$0x3FB2] =	sst s4  }
0xd: {  	[smem:$0x3FB3] =	sst s5  }
0xe: {  	[smem:$0x3FB4] =	sst s6  }
0xf: {  	[smem:$0x3FB5] =	sst s7  }
0x10: {  	[smem:$0x3FB6] =	sst s8  }
0x11: {  	[smem:$0x3FB7] =	sst s9;
	s0 =	simm.s32 @!p0 $0x0  }
0x12: {  	s1 =	sld [smem:$0x3F9D];
	s0 =	simm.s32 @p0 $0x1  }
0x13: {  	[smem:$0x3FB8] =	sst s0;
	s0 =	simm.s32 @!p1 $0x0  }
0x14: {  	s2 =	sld [smem:$0x3F9C];
	s0 =	simm.s32 @p1 $0x1  }
0x15: {  	[smem:$0x3FB9] =	sst s0;
	s0 =	simm.s32 @!p2 $0x0  }
0x16: {  	s3 =	sld [smem:$0x3FDB];
	s0 =	simm.s32 @p2 $0x1  }
0x17: {  	s4 =	simm.s32 $0x1BF5;
	[smem:$0x3FBB] =	sst s0  }
0x18: {  	s0 =	sld [smem:$0x3F9E];
	_ =	swait.ge [sflag:s4], $0x0  }
0x19: {  	s7 =	sld [smem:$0x3F9F]  }
0x1a: {  	s8 =	sadd.s32 $0xFFFFE003, lr  }
0x1b: {  	s9 =	sadd.s32 $0xFFFFFEF7, lr;
	s5 =	simm.s32 $0xFFFFFFFF;
	p2 =	slt.u32 s8, $0xFFFFF086  }
0x1c: {  	p1 =	slt.u32 s9, $0xF7A;
	s5 =	simm.s32 @!p2 $0x0  }
0x1d: {  	s5 =	simm.s32 @p1 $0x1;
	p0 =	seq.s32 s7, s2  }
0x1e: {  	s7 =	smul.u32 @!p0 $0xF7A, s2;
	p2 =	seq.s32 @!p0 s5, $0x0  }
0x1f: {  	s9 =	smul.u32 $0xF7A, s1;
	s8 =	simm.s32 @!p0 $0x1BF5;
	p2 =	por !p2, p0  }
0x20: {  	[sflag:s8] =	ssyncset.s32 @!p0 $0xFFFFF086;
	s6 =	sadd.s32 @!p0 s3, s7;
	s7 =	simm.s32 @!p0 $0x108  }
0x21: {  	s3 =	sadd.s32 s3, s9;
	s6 =	sadd.s32 @!p0 $0x88, s6;
	s7 =	simm.s32 @p2 $0x1082  }
0x22: {  	[simem:s7], [sflag:s8] =	dma.local @!p0 [hbm:s6], $0xF7A  }
0x23: {  	s9 =	sor.u32 $0xD0000000, s2;
	s6 =	simm.s32 $0x108;
	_ =	swait.ge @!p0 [sflag:s8], $0x0  }
0x24: {  	s3 =	sadd.s32 $0x88, s3;
	s6 =	simm.s32 @!p1 $0x1082;
	[sflag:s4] =	ssyncset.s32 $0xFFFFF086  }
0x25: {  	[simem:s6], [sflag:s4] =	dma.local [hbm:s3], $0xF7A  }
0x26: {  	[smem:$0x3F9F] =	sst s1;
	(tag) =	ssettag s2;
	_ =	strace s9  }
0x27: {  	s1 =	sld [smem:$0x3FAF]  }
0x28: {  	s2 =	sld [smem:$0x3FB0]  }
0x29: {  	s4 =	sld [smem:$0x3FB2]  }
0x2a: {  	p0 =	seq.s32 s5, $0x0;
	s5 =	sld [smem:$0x3FB3]  }
0x2b: {  	s6 =	sld [smem:$0x3FB4]  }
0x2c: {  	s7 =	sld [smem:$0x3FB5]  }
0x2d: {  	s3 =	simm.s32 $0x108;
	s8 =	sld [smem:$0x3FB6]  }
0x2e: {  	s3 =	simm.s32 @!p0 $0x1082;
	s9 =	sld [smem:$0x3FB7]  }
0x2f: {  	lr =	sadd.s32 s0, s3;
	s0 =	sld [smem:$0x3FAE]  }
0x30: {  	s3 =	sld [smem:$0x3FB1]  }
0x31: {  	[smem:$0x3FBA] =	sst s10  }
0x32: {  	s10 =	sld [smem:$0x3FB8];
	_ =	sdelay $0x3  }
0x33: {  	p0 =	seq.s32 s10, $0x1;
	s10 =	sld [smem:$0x3FBA];
	_ =	sdelay $0x3  }
0x34: {  	[smem:$0x3FBA] =	sst s10  }
0x35: {  	s10 =	sld [smem:$0x3FB9];
	_ =	sdelay $0x3  }
0x36: {  	p1 =	seq.s32 s10, $0x1;
	s10 =	sld [smem:$0x3FBA];
	_ =	sdelay $0x3  }
0x37: {  	[smem:$0x3FBA] =	sst s10  }
0x38: {  	s10 =	sld [smem:$0x3FBB]  }
0x39: {  	_ = 	snop;
	(pc) =	sbr.ind lr, $3  }
0x3a: {  	_ = 	snop  }
0x3b: {  	_ = 	snop  }
0x3c: {  	p2 =	seq.s32 s10, $0x1;
	s10 =	sld [smem:$0x3FBA]  }
0x3d: {  	_ =	shalt  }
0x3e: {  	_ =	shalt  }
0x3f: {  	_ =	shalt  }
0x40: {  	_ =	shalt  }
0x41: {  	_ =	shalt  }
0x42: {  	_ =	shalt  }
0x43: {  	_ =	shalt  }
0x44: {  	_ =	shalt  }
0x45: {  	_ =	shalt  }
0x46: {  	_ =	shalt  }
0x47: {  	_ =	shalt  }
0x48: {  	_ =	shalt  }
0x49: {  	_ =	shalt  }
0x4a: {  	_ =	shalt  }
0x4b: {  	_ =	shalt  }
0x4c: {  	_ =	shalt  }
0x4d: {  	_ =	shalt  }
0x4e: {  	_ =	shalt  }
0x4f: {  	_ =	shalt  }
0x50: {  	_ =	shalt  }
0x51: {  	_ =	shalt  }
0x52: {  	_ =	shalt  }
0x53: {  	_ =	shalt  }
0x54: {  	_ =	shalt  }
0x55: {  	_ =	shalt  }
0x56: {  	_ =	shalt  }
0x57: {  	_ =	shalt  }
0x58: {  	_ =	shalt  }
0x59: {  	_ =	shalt  }
0x5a: {  	_ =	shalt  }
0x5b: {  	_ =	shalt  }
0x5c: {  	_ =	shalt  }
0x5d: {  	_ =	shalt  }
0x5e: {  	_ =	shalt  }
0x5f: {  	_ =	shalt  }
0x60: {  	_ =	shalt  }
0x61: {  	_ =	shalt  }
0x62: {  	_ =	shalt  }
0x63: {  	_ =	shalt  }
0x64: {  	_ =	shalt  }
0x65: {  	_ =	shalt  }
0x66: {  	_ =	shalt  }
0x67: {  	_ =	shalt  }
0x68: {  	_ =	shalt  }
0x69: {  	_ =	shalt  }
0x6a: {  	_ =	shalt  }
0x6b: {  	_ =	shalt  }
0x6c: {  	_ =	shalt  }
0x6d: {  	_ =	shalt  }
0x6e: {  	_ =	shalt  }
0x6f: {  	_ =	shalt  }
0x70: {  	_ =	shalt  }
0x71: {  	_ =	shalt  }
0x72: {  	_ =	shalt  }
0x73: {  	_ =	shalt  }
0x74: {  	_ =	shalt  }
0x75: {  	_ =	shalt  }
0x76: {  	_ =	shalt  }
0x77: {  	_ =	shalt  }
0x78: {  	_ =	shalt  }
0x79: {  	_ =	shalt  }
0x7a: {  	_ =	shalt  }
0x7b: {  	_ =	shalt  }
0x7c: {  	_ =	shalt  }
0x7d: {  	_ =	shalt  }
0x7e: {  	_ =	shalt  }
0x7f: {  	_ =	shalt  }
0x80: {  	_ =	shalt  }
0x81: {  	_ =	shalt  }
0x82: {  	_ =	shalt  }
0x83: {  	_ =	shalt  }
0x84: {  	_ =	shalt  }
0x85: {  	_ =	shalt  }
0x86: {  	_ =	shalt  }
0x87: {  	_ =	shalt  }
.Lfunc_end0:
.L_simem_size_0:
called_computation_lowered:
.L_overlay_start_0:
0x88: {  	s2 =	sld [smem:$0x3FD9]  }
0x89: {  	s3 =	sld [smem:$0x3FFE];
	_ =	sdelay $0x1  }
0x8a: {  	s1 =	srdreg.scid  }
0x8b: {  	s0 =	sand.u32 $0x1, s1  }
0x8c: {  	s17 =	sshll.u32 s0, $0xA;
	s2 =	sadd.s32 s3, s2  }
0x8d: {  	s2 =	sadd.s32 s2, s17  }
0x8e: {  	[smem:$0x3FC6] =	sst s2  }
0x8f: {  	_ = 	snop  }
0x90: {  	s2 =	sld [smem:$0x3FC9]  }
0x91: {  	s18 =	sld [smem:$0x3FD0];
	(tm) =	ssettm $0x1  }
0x92: {  	s4 =	sld [smem:$0x3FFB];
	_ =	sdelay $0x3  }
0x93: {  	_ =	strace s4  }
0x94: {  	s4 =	sld [smem:$0x3FFC];
	_ =	sdelay $0x3  }
0x95: {  	_ =	strace s4  }
0x96: {  	s4 =	sld [smem:$0x3FFD];
	_ =	sdelay $0x3  }
0x97: {  	_ =	strace s4  }
0x98: {  	_ =	strace $0x8FFFFFFF  }
0x99: {  	s19 =	sld [smem:$0x3FDB];
	_ =	sdelay $0x1  }
0x9a: {  	s5 =	simm.s32 $_scs_section_size  }
0x9b: {  	s6 =	simm.s32 $_size__tile_overlayer_lowered;
	s7 =	simm.s32 $_tile_overlayer_lowered  }
0x9c: {  	s22 =	simm.s32 $0x1BFF;
	s21 =	sshll.u32 s7, $0x1;
	s4 =	sadd.s32 s5, s19  }
0x9d: {  	s8 =	simm.s32 $0x0;
	s20 =	sshll.u32 s6, $0x1;
	s6 =	sadd.s32 s21, s4  }
0x9e: {  	[timem:s8], [sflag:s22] =	dma.local [hbm:s6], s20  }
0x9f: {  	_ =	swait.ge [sflag:s22], s20  }
0xa0: {  	s5 =	ssub.s32 $0x0, s20;
	[sflag:s22] =	ssyncset.done $0x0  }
0xa1: {  	[sflag:s22] =	ssyncadd.s32 s5;
	_ =	sdelay $0x1  }
0xa2: {  	s23 =	simm.s32 $0x1B8B  }
0xa3: {  	_ =	swait.ge [sflag:s23], $0x1  }
0xa4: {  	[sflag:s23] =	ssyncset.done $0x0  }
0xa5: {  	s25 =	simm.s32 $0x1B8E;
	s24 =	sld [smem:$0x3FFE];
	[sflag:s23] =	ssyncadd.s32 $0xFFFFFFFF  }
0xa6: {  	s26 =	simm.s32 $execute0_lowered;
	[smem:$0x3FD2] =	sst s25  }
0xa7: {  	s6 =	sshll.u32 s26, $0x1;
	_ =	strace $0x80000046;
	[dreg:$0x1] =	wrdreg $0xFFFFFFFF  }
0xa8: {  	s28 =	simm.s32 $_size_execute0_lowered;
	s4 =	sadd.s32 s4, s6;
	[dreg:$0x0] =	wrdreg $0x0  }
0xa9: {  	s6 =	sshll.u32 s28, $0x1;
	[dreg:$0x2] =	wrdreg s4  }
0xaa: {  	[dreg:$0x3] =	wrdreg s6  }
0xab: {  	[dreg:$0x4] =	wrdreg $0xC0  }
0xac: {  	_ =	task [dreg:s8], $0x5FFFF  }
0xad: {  	[dreg:$0x1] =	wrdreg $0xFFFFFFFF  }
0xae: {  	[dreg:$0x0] =	wrdreg $0x60  }
0xaf: {  	[dreg:$0x2] =	wrdreg s24  }
0xb0: {  	[dreg:$0x3] =	wrdreg s2  }
0xb1: {  	[dreg:$0x4] =	wrdreg s18  }
0xb2: {  	[dreg:$0x5] =	wrdreg $0x9  }
0xb3: {  	_ =	task.clear_ibuf [dreg:s8], $0x6FFFF;
	_ =	strace $0x90000046  }
0xb4: {  	s29 =	simm.s32 $0x9;
	_ =	strace $0x80000048  }
0xb5: {  	_ =	swait.ge [sflag:s29], $0x1  }
0xb6: {  	[sflag:s29] =	ssyncadd.s32 $0xFFFFFFFF  }
0xb7: {  	_ =	strace $0x90000048  }
0xb8: {  	_ =	sfence  }
0xb9: {  	s30 =	sld [smem:$0x0];
	_ =	sdelay $0x2  }
0xba: {  	s31 =	sshll.u32 s1, $0xD;
	s1 =	sshrl.u32 s1, $0x2  }
0xbb: {  	s3 =	sand.u32 $0x4000, s31;
	s1 =	sadd.s32 s1, s30  }
0xbc: {  	s0 =	sor.u32 s3, s0;
	s1 =	sshll.u32 s1, $0x11  }
0xbd: {  	s0 =	sor.u32 s1, s0  }
0xbe: {  	s0 =	sadd.s32 $0x8F2B, s0  }
0xbf: {  	[sflag:s0] =	ssyncadd.remote.s32 $0x1  }
0xc0: {  	_ =	sfence.sel $0xFFFF  }
0xc1: {  	[dreg:$0x0] =	wrdreg $0xFFFFFFFF;
	(pc) =	sbr.abs _section_cstart, $3  }
0xc2: {  	[dreg:$0x1] =	wrdreg $0xFFFFFFFF  }
0xc3: {  	_ =	task.clear_ibuf [dreg:s8], $0x2FFFF;
	_ =	strace $0x9FFFFFFF  }
0xc4: {  	(tm) =	ssettm $0x7FFFFFFF  }
0xc5: {  	_ =	shalt  }
tec
execute0_lowered:
.L_overlay_start_1:
0x0: {  	(tag) =	ssettag $0x1  }
0x1: {  	s3 =	rddreg [dreg:$0x0]  }
0x2: {  	s4 =	rddreg [dreg:$0x1]  }
0x3: {  	s5 =	rddreg [dreg:$0x2]  }
0x4: {  	s0 =	rddreg [dreg:$0x3];
	s2 =	simm.s32 $0x0;
	s6 =	srdreg.scid  }
0x5: {  	s1 =	stileid.u32;
	s10 =	simm.s32 $0x400;
	s11 =	simm.s32 $0x20000  }
0x6: {  	s12 =	simm.s32 $0x3;
	s13 =	simm.s32 $0x0;
	[smem:$0x7FF] =	sst s2  }
0x7: {  	s6 =	sand.u32 $0x1, s6;
	s8 =	sshll.u32 s1, $0xA;
	s3 =	sadd.s32 $0x400, s3  }
0x8: {  	s7 =	ssub.s32 $0x2, s6;
	s6 =	sshll.u32 s6, $0x9;
	_ =	strace $0x80000047  }
0x9: {  	s9 =	sshrl.u32 s7, $0x1;
	s6 =	sor.u32 s6, s8;
	s8 =	simm.s32 $0x8100  }
0xa: {  	s7 =	ssub.s32 s7, s9;
	s4 =	sadd.s32 s4, s6;
	s5 =	sadd.s32 s5, s6  }
0xb: {  	s9 =	simm.s32 $0x2;
	s6 =	smax.u32 s7, $0x1;
	s7 =	simm.s32 $0x1  }
.LBB2_1:
0xc: {  	[tilespmem:s2], [sflag:$0x1] =	stream.linear.gather [hbm4b:s3+s2], $0x8100, $0x38;
	[tilespmem:$0x18900] =	vst v63  }
0xd: {  	_ =	swait.ge [sflag:s7], $0x8100  }
0xe: {  	[sflag:s7] =	ssyncset.done $0x0  }
0xf: {  	s14 =	simm.s32 $0x0;
	[sflag:s7] =	ssyncadd.s32 $0xFFFF7F00  }
0x10: {  	[tilespmem:s8], [sflag:$0x2] =	stream.linear.gather [hbm4b:s4+s2], $0x400, $0x38;
	[tilespmem:$0x18900] =	vst v63  }
.LBB2_2:
0x11: {  	s19 =	smov.u32 s14  }
0x12: {  	s14 =	sadd.s32 $0x1, s14;
	p0 =	seq.s32 s19, $0x63  }
0x13: {  	s15 =	smul.u32 @!p0 $0x29, s14;
	_ =	sdelay $0x1  }
0x14: {  	s16 =	sshrl.u32 @!p0 s15, $0xA  }
0x15: {  	s16 =	sand.u32 @!p0 $0x3F, s16  }
0x16: {  	s16 =	smul.u32 @!p0 $0x19, s16;
	_ =	sdelay $0x1  }
0x17: {  	s17 =	sshrl.u32 @!p0 s15, $0x3;
	s16 =	ssub.s32 @!p0 s14, s16  }
0x18: {  	s15 =	sand.u32 $0x1, s19;
	s17 =	sand.u32 @!p0 $0x1F80, s17;
	s16 =	sand.u32 @!p0 $0xFF, s16  }
0x19: {  	s18 =	sshll.u32 @!p0 s15, $0xA;
	s17 =	sadd.s32 @!p0 s17, s4;
	s16 =	sshll.u32 @!p0 s16, $0xE  }
0x1a: {  	s18 =	sxor.u32 @!p0 $0x8500, s18;
	s16 =	sadd.s32 @!p0 s16, s17;
	s17 =	simm.s32 @!p0 $0x0  }
0x1b: {  	[tilespmem:s18], [sflag:$0x2] =	stream.linear.gather @!p0 [hbm4b:s16+s17], $0x400, $0x38;
	[tilespmem:$0x18900] =	vst v63  }
0x1c: {  	s30 =	simm.s32 $0x0;
	_ =	swait.ge [sflag:s9], $0x400  }
0x1d: {  	s20 =	simm.s32 $0x0;
	p0 =	slt.u32 s19, $0x2;
	[sflag:s9] =	ssyncset.done $0x0  }
0x1e: {  	s29 =	sshll.u32 s15, $0xA;
	s17 =	simm.s32 @!p0 $0x3;
	[sflag:s9] =	ssyncadd.s32 $0xFFFFFC00  }
0x1f: {  	s21 =	sand.u32 $0x3FFFFF80, s30;
	s16 =	sor.u32 $0x8100, s29;
	_ =	swait.ge @!p0 [sflag:s17], $0x8000  }
0x20: {  	s31 =	sand.u32 $0x70, s20;
	s24 =	sadd.s32 s21, s16;
	[sflag:s17] =	ssyncset.done @!p0 $0x0  }
0x21: {  	s25 =	sadd.s32 s31, s24;
	[sflag:s17] =	ssyncadd.s32 @!p0 $0xFFFF8000  }
0x22: {  	v0 =	vld [tilespmem:s25+$0x0];
	_ =	sdelay $0x4  }
0x23: {  	v2 =	vmul.u32 $0x21, v0;
	_ =	sdelay $0x1  }
0x24: {  	v1 =	vadd.s32 $0x1, v2  }
0x25: {  	v3 =	vadd.s32 $0x2, v2  }
0x26: {  	v4 =	vadd.s32 $0x3, v2  }
0x27: {  	v5 =	vadd.s32 $0x4, v2  }
0x28: {  	v6 =	vadd.s32 $0x5, v2;
	v0 =	vld.idx.msk [tilespmem:v2+s2+$0x0], $0xffff  }
0x29: {  	v7 =	vadd.s32 $0x1F, v2;
	v10 =	vld.idx.msk [tilespmem:v1+s2+$0x0], $0xffff  }
0x2a: {  	v31 =	vadd.s32 $0x1C, v2;
	v11 =	vld.idx.msk [tilespmem:v3+s2+$0x0], $0xffff  }
0x2b: {  	v1 =	vadd.s32 $0x6, v2;
	v12 =	vld.idx.msk [tilespmem:v4+s2+$0x0], $0xffff  }
0x2c: {  	v3 =	vadd.s32 $0x7, v2;
	v13 =	vld.idx.msk [tilespmem:v5+s2+$0x0], $0xffff  }
0x2d: {  	v4 =	vadd.s32 $0x8, v2;
	v14 =	vld.idx.msk [tilespmem:v6+s2+$0x0], $0xffff  }
0x2e: {  	v5 =	vadd.s32 $0x9, v2;
	v33 =	vld.idx.msk [tilespmem:v7+s2+$0x0], $0xffff  }
0x2f: {  	v6 =	vadd.s32 $0xA, v2;
	v7 =	vld.idx.msk [tilespmem:v31+s2+$0x0], $0xffff  }
0x30: {  	v15 =	vld.idx.msk [tilespmem:v1+s2+$0x0], $0xffff;
	v1 =	vadd.s32 $0xB, v2  }
0x31: {  	v16 =	vld.idx.msk [tilespmem:v3+s2+$0x0], $0xffff;
	v3 =	vadd.s32 $0xC, v2  }
0x32: {  	v17 =	vld.idx.msk [tilespmem:v4+s2+$0x0], $0xffff;
	v4 =	vadd.s32 $0xD, v2  }
0x33: {  	v18 =	vld.idx.msk [tilespmem:v5+s2+$0x0], $0xffff;
	v5 =	vadd.s32 $0xE, v2  }
0x34: {  	v19 =	vld.idx.msk [tilespmem:v6+s2+$0x0], $0xffff;
	v6 =	vadd.s32 $0xF, v2  }
0x35: {  	v20 =	vld.idx.msk [tilespmem:v1+s2+$0x0], $0xffff;
	v1 =	vadd.s32 $0x10, v2  }
0x36: {  	v21 =	vld.idx.msk [tilespmem:v3+s2+$0x0], $0xffff;
	v3 =	vadd.s32 $0x11, v2  }
0x37: {  	v22 =	vld.idx.msk [tilespmem:v4+s2+$0x0], $0xffff;
	v4 =	vadd.s32 $0x12, v2  }
0x38: {  	v23 =	vld.idx.msk [tilespmem:v5+s2+$0x0], $0xffff;
	v5 =	vadd.s32 $0x13, v2  }
0x39: {  	v24 =	vld.idx.msk [tilespmem:v6+s2+$0x0], $0xffff;
	v6 =	vadd.s32 $0x14, v2  }
0x3a: {  	v25 =	vld.idx.msk [tilespmem:v1+s2+$0x0], $0xffff;
	v1 =	vadd.s32 $0x15, v2  }
0x3b: {  	v26 =	vld.idx.msk [tilespmem:v3+s2+$0x0], $0xffff;
	v3 =	vadd.s32 $0x16, v2  }
0x3c: {  	v27 =	vld.idx.msk [tilespmem:v4+s2+$0x0], $0xffff;
	v4 =	vadd.s32 $0x17, v2  }
0x3d: {  	v28 =	vld.idx.msk [tilespmem:v5+s2+$0x0], $0xffff;
	v5 =	vadd.s32 $0x18, v2  }
0x3e: {  	v8 =	vadd.s32 $0x19, v2;
	v29 =	vld.idx.msk [tilespmem:v6+s2+$0x0], $0xffff  }
0x3f: {  	v9 =	vadd.s32 $0x1A, v2;
	v30 =	vld.idx.msk [tilespmem:v1+s2+$0x0], $0xffff  }
0x40: {  	v32 =	vadd.s32 $0x1D, v2;
	v6 =	vld.idx.msk [tilespmem:v3+s2+$0x0], $0xffff  }
0x41: {  	v34 =	vadd.s32 $0x1E, v2;
	v3 =	vld.idx.msk [tilespmem:v4+s2+$0x0], $0xffff  }
0x42: {  	v4 =	vadd.s32 $0x1B, v2;
	v1 =	vld.idx.msk [tilespmem:v5+s2+$0x0], $0xffff  }
0x43: {  	s26 =	simm.s32 $0x0;
	s15 =	sshll.u32 s15, $0xF;
	v5 =	vld.idx.msk [tilespmem:v8+s2+$0x0], $0xffff  }
0x44: {  	s28 =	simm.s32 $0x10;
	s15 =	sadd.s32 $0x8900, s15;
	s17 =	sand.u32 $0x3FFFF000, s26;
	v2 =	vld.idx.msk [tilespmem:v9+s2+$0x0], $0xffff  }
0x45: {  	s20 =	sand.u32 $0x3FFFFF80, s28;
	s21 =	simm.s32 $0x10;
	s22 =	sadd.s32 s17, s15;
	v8 =	vld.idx.msk [tilespmem:v32+s2+$0x0], $0xffff  }
0x46: {  	s23 =	sadd.s32 s20, s16;
	s17 =	sand.u32 $0x70, s21;
	s20 =	sadd.s32 s31, s22;
	v9 =	vld.idx.msk [tilespmem:v34+s2+$0x0], $0xffff  }
0x47: {  	s29 =	sadd.s32 s17, s23;
	v4 =	vld.idx.msk [tilespmem:v4+s2+$0x0], $0xffff;
	[tilespmem:s20+$0xF80] =	vst v33  }
0x48: {  	v63 =	vld [tilespmem:s29+$0x0];
	[tilespmem:s20+$0x80] =	vst v10  }
0x49: {  	[tilespmem:s20+$0x100] =	vst v11  }
0x4a: {  	[tilespmem:s20+$0x180] =	vst v12  }
0x4b: {  	[tilespmem:s20+$0x200] =	vst v13  }
0x4c: {  	[tilespmem:s20+$0x280] =	vst v14  }
0x4d: {  	v12 =	vmul.u32 $0x21, v63;
	[tilespmem:s20+$0x300] =	vst v15  }
0x4e: {  	[tilespmem:s20+$0x380] =	vst v16  }
0x4f: {  	[tilespmem:s20+$0x400] =	vst v17;
	v10 =	vadd.s32 $0x1, v12  }
0x50: {  	[tilespmem:s20+$0x480] =	vst v18;
	v11 =	vadd.s32 $0x2, v12  }
0x51: {  	[tilespmem:s20+$0x500] =	vst v19;
	v14 =	vadd.s32 $0x3, v12  }
0x52: {  	[tilespmem:s20+$0x580] =	vst v20;
	v15 =	vadd.s32 $0x4, v12  }
0x53: {  	[tilespmem:s20+$0x600] =	vst v21;
	v16 =	vadd.s32 $0x5, v12;
	v13 =	vld.idx.msk [tilespmem:v12+s2+$0x0], $0xffff  }
0x54: {  	[tilespmem:s20+$0x680] =	vst v22;
	v17 =	vadd.s32 $0x6, v12;
	v10 =	vld.idx.msk [tilespmem:v10+s2+$0x0], $0xffff  }
0x55: {  	s30 =	smul.u32 $0x29, s19;
	[tilespmem:s20+$0x700] =	vst v23;
	v18 =	vadd.s32 $0x7, v12;
	v11 =	vld.idx.msk [tilespmem:v11+s2+$0x0], $0xffff  }
0x56: {  	[tilespmem:s20+$0x780] =	vst v24;
	v19 =	vadd.s32 $0x8, v12;
	v14 =	vld.idx.msk [tilespmem:v14+s2+$0x0], $0xffff  }
0x57: {  	s18 =	sshrl.u32 s30, $0xA;
	[tilespmem:s20+$0x800] =	vst v25;
	v20 =	vadd.s32 $0x9, v12;
	v15 =	vld.idx.msk [tilespmem:v15+s2+$0x0], $0xffff  }
0x58: {  	s18 =	sand.u32 $0x3F, s18;
	[tilespmem:s20+$0x880] =	vst v26;
	v22 =	vadd.s32 $0xA, v12;
	v16 =	vld.idx.msk [tilespmem:v16+s2+$0x0], $0xffff  }
0x59: {  	s31 =	smul.u32 $0x19, s18;
	[tilespmem:s20+$0x900] =	vst v27;
	v21 =	vadd.s32 $0xB, v12;
	v17 =	vld.idx.msk [tilespmem:v17+s2+$0x0], $0xffff  }
0x5a: {  	[tilespmem:s20+$0x980] =	vst v28;
	v25 =	vadd.s32 $0xC, v12;
	v18 =	vld.idx.msk [tilespmem:v18+s2+$0x0], $0xffff  }
0x5b: {  	s19 =	ssub.s32 s19, s31;
	[tilespmem:s20+$0xA00] =	vst v29;
	v23 =	vadd.s32 $0xD, v12;
	v19 =	vld.idx.msk [tilespmem:v19+s2+$0x0], $0xffff  }
0x5c: {  	s22 =	simm.s32 $0x1;
	s23 =	simm.s32 $0x2;
	s19 =	sand.u32 $0xFF, s19;
	[tilespmem:s20+$0xA80] =	vst v30;
	v24 =	vadd.s32 $0xE, v12;
	v20 =	vld.idx.msk [tilespmem:v20+s2+$0x0], $0xffff  }
.LBB2_3:
0x5d: {  	p0 =	sne.s32 s23, $0x3F;
	v22 =	vld.idx.msk [tilespmem:v22+s2+$0x0], $0xffff;
	v26 =	vadd.s32 $0xF, v12;
	[tilespmem:s20+$0xB00] =	vst v6  }
0x5e: {  	v6 =	vadd.s32 $0x10, v12;
	v21 =	vld.idx.msk [tilespmem:v21+s2+$0x0], $0xffff;
	[tilespmem:s20+$0xB80] =	vst v3  }
0x5f: {  	v3 =	vadd.s32 $0x11, v12;
	v25 =	vld.idx.msk [tilespmem:v25+s2+$0x0], $0xffff;
	[tilespmem:s20+$0xC00] =	vst v1  }
0x60: {  	v1 =	vadd.s32 $0x12, v12;
	v23 =	vld.idx.msk [tilespmem:v23+s2+$0x0], $0xffff;
	[tilespmem:s20+$0xC80] =	vst v5  }
0x61: {  	v5 =	vadd.s32 $0x13, v12;
	v24 =	vld.idx.msk [tilespmem:v24+s2+$0x0], $0xffff;
	[tilespmem:s20+$0xD00] =	vst v2  }
0x62: {  	v2 =	vadd.s32 $0x14, v12;
	v26 =	vld.idx.msk [tilespmem:v26+s2+$0x0], $0xffff;
	[tilespmem:s20+$0xD80] =	vst v4  }
0x63: {  	v4 =	vadd.s32 $0x15, v12;
	v27 =	vld.idx.msk [tilespmem:v6+s2+$0x0], $0xffff;
	[tilespmem:s20+$0xE00] =	vst v7  }
0x64: {  	v28 =	vld.idx.msk [tilespmem:v3+s2+$0x0], $0xffff;
	v3 =	vadd.s32 $0x16, v12;
	[tilespmem:s20+$0xE80] =	vst v8  }
0x65: {  	v29 =	vld.idx.msk [tilespmem:v1+s2+$0x0], $0xffff;
	v1 =	vadd.s32 $0x17, v12;
	[tilespmem:s20+$0xF00] =	vst v9  }
0x66: {  	v30 =	vld.idx.msk [tilespmem:v5+s2+$0x0], $0xffff;
	v5 =	vadd.s32 $0x18, v12;
	[tilespmem:s20+$0x0] =	vst v0;
	v0 =	vmov v13  }
0x67: {  	v31 =	vld.idx.msk [tilespmem:v2+s2+$0x0], $0xffff;
	v2 =	vadd.s32 $0x1F, v12  }
0x68: {  	v32 =	vld.idx.msk [tilespmem:v4+s2+$0x0], $0xffff;
	v4 =	vadd.s32 $0x19, v12  }
0x69: {  	v7 =	vadd.s32 $0x1A, v12;
	v6 =	vld.idx.msk [tilespmem:v3+s2+$0x0], $0xffff  }
0x6a: {  	v8 =	vadd.s32 $0x1B, v12;
	v3 =	vld.idx.msk [tilespmem:v1+s2+$0x0], $0xffff  }
0x6b: {  	v9 =	vadd.s32 $0x1C, v12;
	v1 =	vld.idx.msk [tilespmem:v5+s2+$0x0], $0xffff  }
0x6c: {  	v13 =	vadd.s32 $0x1D, v12;
	v33 =	vld.idx.msk [tilespmem:v2+s2+$0x0], $0xffff  }
0x6d: {  	v12 =	vadd.s32 $0x1E, v12;
	v5 =	vld.idx.msk [tilespmem:v4+s2+$0x0], $0xffff  }
0x6e: {  	s20 =	sshll.u32 s22, $0x9;
	s22 =	smov.u32 s23;
	v2 =	vld.idx.msk [tilespmem:v7+s2+$0x0], $0xffff  }
0x6f: {  	s24 =	sshll.u32 s23, $0x4;
	s20 =	sand.u32 $0x3FFFF000, s20;
	v4 =	vld.idx.msk [tilespmem:v8+s2+$0x0], $0xffff  }
0x70: {  	s21 =	sadd.s32 $0x10, s21;
	s24 =	sand.u32 $0x3FFFFF80, s24;
	s20 =	sadd.s32 s20, s15;
	v7 =	vld.idx.msk [tilespmem:v9+s2+$0x0], $0xffff  }
0x71: {  	s24 =	sadd.s32 s24, s16;
	s20 =	sadd.s32 s17, s20;
	s17 =	sand.u32 $0x70, s21;
	v8 =	vld.idx.msk [tilespmem:v13+s2+$0x0], $0xffff  }
0x72: {  	s24 =	sadd.s32 s17, s24;
	v9 =	vld.idx.msk [tilespmem:v12+s2+$0x0], $0xffff;
	[tilespmem:s20+$0xF80] =	vst v33  }
0x73: {  	v12 =	vld [tilespmem:s24+$0x0];
	[tilespmem:s20+$0x80] =	vst v10  }
0x74: {  	[tilespmem:s20+$0x100] =	vst v11  }
0x75: {  	[tilespmem:s20+$0x180] =	vst v14  }
0x76: {  	[tilespmem:s20+$0x200] =	vst v15  }
0x77: {  	[tilespmem:s20+$0x280] =	vst v16  }
0x78: {  	v12 =	vmul.u32 $0x21, v12;
	[tilespmem:s20+$0x300] =	vst v17  }
0x79: {  	[tilespmem:s20+$0x380] =	vst v18  }
0x7a: {  	v10 =	vadd.s32 $0x1, v12;
	[tilespmem:s20+$0x400] =	vst v19  }
0x7b: {  	v11 =	vadd.s32 $0x2, v12;
	[tilespmem:s20+$0x480] =	vst v20  }
0x7c: {  	v14 =	vadd.s32 $0x3, v12;
	[tilespmem:s20+$0x500] =	vst v22  }
0x7d: {  	v15 =	vadd.s32 $0x4, v12;
	[tilespmem:s20+$0x580] =	vst v21  }
0x7e: {  	v16 =	vadd.s32 $0x5, v12;
	v13 =	vld.idx.msk [tilespmem:v12+s2+$0x0], $0xffff;
	[tilespmem:s20+$0x600] =	vst v25  }
0x7f: {  	v17 =	vadd.s32 $0x6, v12;
	v10 =	vld.idx.msk [tilespmem:v10+s2+$0x0], $0xffff;
	[tilespmem:s20+$0x680] =	vst v23  }
0x80: {  	v18 =	vadd.s32 $0x7, v12;
	v11 =	vld.idx.msk [tilespmem:v11+s2+$0x0], $0xffff;
	[tilespmem:s20+$0x700] =	vst v24  }
0x81: {  	v19 =	vadd.s32 $0x8, v12;
	v14 =	vld.idx.msk [tilespmem:v14+s2+$0x0], $0xffff;
	[tilespmem:s20+$0x780] =	vst v26  }
0x82: {  	v20 =	vadd.s32 $0x9, v12;
	v15 =	vld.idx.msk [tilespmem:v15+s2+$0x0], $0xffff;
	[tilespmem:s20+$0x800] =	vst v27  }
.Ltmp0:
0x83: {  	v22 =	vadd.s32 $0xA, v12;
	v16 =	vld.idx.msk [tilespmem:v16+s2+$0x0], $0xffff;
	[tilespmem:s20+$0x880] =	vst v28;
	(pc) =	sbr.rel @p0 .LBB2_3-.Ltmp0, $4  }
0x84: {  	v21 =	vadd.s32 $0xB, v12;
	v17 =	vld.idx.msk [tilespmem:v17+s2+$0x0], $0xffff;
	[tilespmem:s20+$0x900] =	vst v29  }
0x85: {  	v25 =	vadd.s32 $0xC, v12;
	v18 =	vld.idx.msk [tilespmem:v18+s2+$0x0], $0xffff;
	[tilespmem:s20+$0x980] =	vst v30  }
0x86: {  	v23 =	vadd.s32 $0xD, v12;
	v19 =	vld.idx.msk [tilespmem:v19+s2+$0x0], $0xffff;
	[tilespmem:s20+$0xA00] =	vst v31  }
0x87: {  	s23 =	sadd.s32 $0x1, s23;
	v24 =	vadd.s32 $0xE, v12;
	v20 =	vld.idx.msk [tilespmem:v20+s2+$0x0], $0xffff;
	[tilespmem:s20+$0xA80] =	vst v32  }
0x88: {  	_ =	sdelay $0x3  }
0x89: {  	v22 =	vld.idx.msk [tilespmem:v22+s2+$0x0], $0xffff;
	v26 =	vadd.s32 $0xF, v12  }
0x8a: {  	v21 =	vld.idx.msk [tilespmem:v21+s2+$0x0], $0xffff;
	v27 =	vadd.s32 $0x10, v12  }
0x8b: {  	v25 =	vld.idx.msk [tilespmem:v25+s2+$0x0], $0xffff;
	v28 =	vadd.s32 $0x11, v12  }
0x8c: {  	v23 =	vld.idx.msk [tilespmem:v23+s2+$0x0], $0xffff;
	v29 =	vadd.s32 $0x12, v12  }
0x8d: {  	v24 =	vld.idx.msk [tilespmem:v24+s2+$0x0], $0xffff;
	v30 =	vadd.s32 $0x13, v12  }
0x8e: {  	v31 =	vadd.s32 $0x14, v12;
	v26 =	vld.idx.msk [tilespmem:v26+s2+$0x0], $0xffff  }
0x8f: {  	v32 =	vadd.s32 $0x15, v12;
	v27 =	vld.idx.msk [tilespmem:v27+s2+$0x0], $0xffff  }
0x90: {  	v33 =	vadd.s32 $0x16, v12;
	v28 =	vld.idx.msk [tilespmem:v28+s2+$0x0], $0xffff  }
0x91: {  	v34 =	vadd.s32 $0x17, v12;
	v29 =	vld.idx.msk [tilespmem:v29+s2+$0x0], $0xffff  }
0x92: {  	v35 =	vadd.s32 $0x18, v12;
	v30 =	vld.idx.msk [tilespmem:v30+s2+$0x0], $0xffff  }
0x93: {  	v36 =	vadd.s32 $0x1F, v12;
	v31 =	vld.idx.msk [tilespmem:v31+s2+$0x0], $0xffff  }
0x94: {  	v37 =	vadd.s32 $0x19, v12;
	[tilespmem:s20+$0xB00] =	vst v6;
	v32 =	vld.idx.msk [tilespmem:v32+s2+$0x0], $0xffff  }
0x95: {  	v52 =	vadd.s32 $0x1A, v12;
	[tilespmem:s20+$0xB80] =	vst v3;
	v51 =	vld.idx.msk [tilespmem:v33+s2+$0x0], $0xffff  }
0x96: {  	v54 =	vadd.s32 $0x1B, v12;
	[tilespmem:s20+$0xC00] =	vst v1;
	v53 =	vld.idx.msk [tilespmem:v34+s2+$0x0], $0xffff  }
0x97: {  	v56 =	vadd.s32 $0x1C, v12;
	[tilespmem:s20+$0xC80] =	vst v5;
	v55 =	vld.idx.msk [tilespmem:v35+s2+$0x0], $0xffff  }
0x98: {  	v57 =	vadd.s32 $0x1D, v12;
	[tilespmem:s20+$0xD00] =	vst v2;
	v36 =	vld.idx.msk [tilespmem:v36+s2+$0x0], $0xffff  }
0x99: {  	v59 =	vadd.s32 $0x1E, v12;
	[tilespmem:s20+$0xD80] =	vst v4;
	v58 =	vld.idx.msk [tilespmem:v37+s2+$0x0], $0xffff  }
0x9a: {  	[tilespmem:s20+$0xE00] =	vst v7;
	s16 =	sshll.u32 s22, $0x9;
	v60 =	vld.idx.msk [tilespmem:v52+s2+$0x0], $0xffff  }
0x9b: {  	[tilespmem:s20+$0xE80] =	vst v8;
	s16 =	sand.u32 $0x3FFFF000, s16;
	v61 =	vld.idx.msk [tilespmem:v54+s2+$0x0], $0xffff  }
0x9c: {  	[tilespmem:s20+$0xF00] =	vst v9;
	s16 =	sadd.s32 s16, s15;
	v62 =	vld.idx.msk [tilespmem:v56+s2+$0x0], $0xffff  }
0x9d: {  	[tilespmem:s20+$0x0] =	vst v0;
	s16 =	sadd.s32 s17, s16;
	v5 =	vld.idx.msk [tilespmem:v57+s2+$0x0], $0xffff  }
0x9e: {  	v63 =	vld.idx.msk [tilespmem:v59+s2+$0x0], $0xffff;
	[tilespmem:s16+$0x80] =	vst v10  }
0x9f: {  	[tilespmem:s16+$0x100] =	vst v11  }
0xa0: {  	[tilespmem:s16+$0x180] =	vst v14  }
0xa1: {  	[tilespmem:s16+$0x200] =	vst v15  }
0xa2: {  	[tilespmem:s16+$0x280] =	vst v16  }
0xa3: {  	[tilespmem:s16+$0x300] =	vst v17  }
0xa4: {  	[tilespmem:s16+$0x380] =	vst v18  }
0xa5: {  	[tilespmem:s16+$0x400] =	vst v19  }
0xa6: {  	[tilespmem:s16+$0x480] =	vst v20  }
0xa7: {  	[tilespmem:s16+$0x500] =	vst v22  }
0xa8: {  	[tilespmem:s16+$0x580] =	vst v21  }
0xa9: {  	[tilespmem:s16+$0x600] =	vst v25  }
0xaa: {  	[tilespmem:s16+$0x680] =	vst v23  }
0xab: {  	[tilespmem:s16+$0x700] =	vst v24  }
0xac: {  	[tilespmem:s16+$0x0] =	vst v13  }
0xad: {  	[tilespmem:s16+$0xF80] =	vst v36  }
0xae: {  	[tilespmem:s16+$0x780] =	vst v26  }
0xaf: {  	[tilespmem:s16+$0x800] =	vst v27  }
0xb0: {  	[tilespmem:s16+$0x880] =	vst v28  }
0xb1: {  	[tilespmem:s16+$0x900] =	vst v29  }
0xb2: {  	[tilespmem:s16+$0x980] =	vst v30  }
0xb3: {  	[tilespmem:s16+$0xA00] =	vst v31  }
0xb4: {  	[tilespmem:s16+$0xA80] =	vst v32  }
0xb5: {  	[tilespmem:s16+$0xB00] =	vst v51  }
0xb6: {  	[tilespmem:s16+$0xB80] =	vst v53  }
0xb7: {  	[tilespmem:s16+$0xC00] =	vst v55  }
0xb8: {  	[tilespmem:s16+$0xC80] =	vst v58  }
0xb9: {  	p0 =	sne.s32 s14, $0x64;
	[tilespmem:s16+$0xD00] =	vst v60  }
.Ltmp1:
0xba: {  	[tilespmem:s16+$0xD80] =	vst v61;
	(pc) =	sbr.rel @p0 .LBB2_2-.Ltmp1, $4  }
0xbb: {  	s29 =	sshll.u32 s18, $0x7;
	[tilespmem:s16+$0xE00] =	vst v62  }
0xbc: {  	s30 =	sshll.u32 s19, $0x13;
	s17 =	sadd.s32 s29, s5;
	[tilespmem:s16+$0xE80] =	vst v5  }
0xbd: {  	s31 =	sadd.s32 s30, s17;
	[tilespmem:s16+$0xF00] =	vst v63  }
0xbe: {  	[hbm4b:s31+s10] =	stream.strided.scatter [tilespmem:s15], [sflag:$0x3], $0x8000, s11, s10, $0x38;
	[tilespmem:$0x18900] =	vst v63  }
0xbf: {  	s13 =	sadd.s32 $0x1, s13  }
0xc0: {  	_ =	swait.ge [sflag:s12], $0x8000;
	p0 =	sne.s32 s13, s6  }
.Ltmp2:
0xc1: {  	[sflag:s12] =	ssyncset.done $0x0;
	(pc) =	sbr.rel @p0 .LBB2_1-.Ltmp2, $4  }
0xc2: {  	[sflag:s12] =	ssyncadd.s32 $0xFFFF8000  }
0xc3: {  	_ =	swait.ge [sflag:s12], $0x8000  }
0xc4: {  	[sflag:s12] =	ssyncset.done $0x0  }
0xc5: {  	[sflag:s12] =	ssyncadd.s32 $0xFFFF8000  }
0xc6: {  	_ =	sfence.sel $0x180000  }
0xc7: {  	[bflag:$0x0] =	sbarrier.arrive $0xFFFF  }
0xc8: {  	p0 =	sne.s32 s1, $0x0;
	_ =	strace $0x90000047  }
0xc9: {  	s0 =	sadd.s32 @!p0 $0x100000, s0;
	[bflag:$0x2] =	sbarrier.arrive $0xFFFF  }
0xca: {  	[sflag:s0] =	ssyncadd.tile.s32 @!p0 $0x1;
	_ =	shalt  }
.Lfunc_end2:
_tile_overlayer_lowered:
.L_overlay_start_2:
0xcb: {  	(tag) =	ssettag $0x2  }
0xcc: {  	s0 =	rddreg [dreg:$0x0];
	s2 =	stileid.u32  }
0xcd: {  	s1 =	rddreg [dreg:$0x1];
	p0 =	sne.s32 s2, $0x0  }
0xce: {  	s3 =	rddreg [dreg:$0x2];
	[bflag:$0x3] =	sbarrier.arrive $0xFFFF;
	s2 =	simm.s32 @!p0 $0x1C04  }
0xcf: {  	[timem:s3], [sflag:s2] =	dma.local @!p0 [hbm:s0], s1  }
0xd0: {  	s0 =	simm.s32 @!p0 $0x4  }
0xd1: {  	_ =	swait.ge @!p0 [sflag:s0], s1  }
0xd2: {  	s1 =	ssub.s32 @!p0 $0x0, s1;
	[sflag:s0] =	ssyncset.done @!p0 $0x0  }
0xd3: {  	[sflag:s0] =	ssyncadd.s32 @!p0 s1  }
0xd4: {  	[bflag:$0x3] =	sbarrier.arrive $0xFFFF  }
0xd5: {  	_ =	shalt  }

</sc_bundles>
